<compile_context>
chip_gen: v7x
topology: tpu7x:2x2x1
jax: 0.10.2.dev20260603
libtpu: 0.0.44.dev20260713+nightly
codegen_flags: <defaults>
</compile_context>

<pallas_src>
import functools
import math

import jax
import jax.numpy as jnp
from jax import lax
from jax.experimental import pallas as pl
from jax.experimental.pallas import tpu as pltpu
from jax.experimental.pallas import tpu_sc as plsc

D_MODEL = 64
SCALE = math.sqrt(D_MODEL)

NUM_CORES = 2
NUM_SUBCORES = 16
NUM_WORKERS = NUM_CORES * NUM_SUBCORES

CHUNK = 160


def _emb_body(x_hbm, lut_hbm, out_hbm, idx_all, p0, p1, g0, g1, o0, o1,
              gsem, osem):
    wid = lax.axis_index("s") * NUM_CORES + lax.axis_index("c")
    n_total = x_hbm.shape[0]
    b_per_w = n_total // NUM_WORKERS
    n_chunks = b_per_w // CHUNK
    base = wid * b_per_w

    pidx = [p0, p1]
    grows = [g0, g1]
    orows = [o0, o1]

    pltpu.sync_copy(x_hbm.at[pl.ds(base, b_per_w)],
                    idx_all.at[pl.ds(0, b_per_w)])

    def fill_pidx(g, s):
        def vec(i, c):
            v = idx_all[pl.ds(g * CHUNK + i * 16, 16)]
            pidx[s][pl.ds(i * 16, 16)] = jax.lax.shift_right_logical(v, 1)
            return c
        lax.fori_loop(0, CHUNK // 16, vec, 0, unroll=4)

    fill_pidx(0, 0)
    pltpu.async_copy(lut_hbm.at[pidx[0]], grows[0], gsem)
    fill_pidx(1, 1)
    pltpu.async_copy(lut_hbm.at[pidx[1]], grows[1], gsem)

    def half_step(g, s):
        pltpu.make_async_copy(lut_hbm.at[pidx[s]], grows[s], gsem).wait()

        @pl.when(g >= 2)
        def _():
            pltpu.make_async_copy(
                orows[s], out_hbm.at[pl.ds(base, CHUNK)], osem).wait()

        @plsc.parallel_loop(0, CHUNK, unroll=8)
        def _(r):
            v = idx_all[pl.ds(g * CHUNK + r, 16)]
            par = v[0] & 1
            doff = par * D_MODEL
            for k in range(D_MODEL // 16):
                orows[s][r, pl.ds(16 * k, 16)] = (
                    grows[s][r, pl.ds(doff + 16 * k, 16)] * SCALE)

        @pl.when(g + 2 < n_chunks)
        def _():
            fill_pidx(g + 2, s)
            pltpu.async_copy(lut_hbm.at[pidx[s]], grows[s], gsem)

        pltpu.async_copy(orows[s], out_hbm.at[pl.ds(base + g * CHUNK, CHUNK)],
                         osem)

    def pair_body(i, carry):
        half_step(2 * i, 0)
        half_step(2 * i + 1, 1)
        return carry

    lax.fori_loop(0, n_chunks // 2, pair_body, 0)

    for s in range(2):
        pltpu.make_async_copy(
            orows[s], out_hbm.at[pl.ds(base, CHUNK)], osem).wait()


def kernel(x, lut):
    b, s = x.shape
    n = b * s
    xf = x.reshape(n).astype(jnp.int32)
    lut2 = lut.reshape(lut.shape[0] // 2, 2 * lut.shape[1])

    emb_call = pl.kernel(
        _emb_body,
        out_type=jax.ShapeDtypeStruct((n, D_MODEL), jnp.float32),
        mesh=plsc.VectorSubcoreMesh(
            core_axis_name="c", subcore_axis_name="s",
            num_cores=NUM_CORES, num_subcores=NUM_SUBCORES,
        ),
        scratch_types=[
            pltpu.VMEM((n // NUM_WORKERS + 16,), jnp.int32),
            pltpu.VMEM((CHUNK,), jnp.int32),
            pltpu.VMEM((CHUNK,), jnp.int32),
            pltpu.VMEM((CHUNK, 2 * D_MODEL), jnp.float32),
            pltpu.VMEM((CHUNK, 2 * D_MODEL), jnp.float32),
            pltpu.VMEM((CHUNK, D_MODEL), jnp.float32),
            pltpu.VMEM((CHUNK, D_MODEL), jnp.float32),
            pltpu.SemaphoreType.DMA,
            pltpu.SemaphoreType.DMA,
        ],
        compiler_params=pltpu.CompilerParams(use_tc_tiling_on_sc=True),
    )
    out = emb_call(xf, lut2)
    return out.reshape(b, s, D_MODEL)

# --- scband reference (transcript-rebuilt; emitter-appended) ---
"""Pipeline reference for scband-embeddings-56779467653306 (READ-ONLY COPY).

The authoritative reference and input builder live on the scoring server;
editing this copy changes nothing except your own understanding.
"""

import jax, jax.numpy as jnp
import numpy as np
import math

D_MODEL = 64
VOCAB = 1000000

def setup_inputs(seed: int = 0) -> dict:
    key = jax.random.key(seed)
    k1, k2 = jax.random.split(key)
    x = jax.random.randint(k1, (4096, 200), 0, VOCAB, dtype=jnp.int64 if jax.config.read('jax_enable_x64') else jnp.int32)
    lut = jax.random.normal(k2, (VOCAB, D_MODEL), dtype=jnp.float32)
    return {"x": x, "lut": lut}

def reference(x, lut):
    # Embeddings.forward: self.lut(x) * sqrt(d_model)
    emb = jnp.take(lut, x, axis=0)
    return emb * math.sqrt(D_MODEL)

if __name__ == "__main__":
    import jax
    _d = setup_inputs()
    print(jax.jit(kernel)(*tuple(_d.values())))

</pallas_src>

<mosaic_0001>
#map = affine_map<(d0, d1) -> (0)>
#map1 = affine_map<(d0, d1) -> (0, 0)>
module attributes {stable_mosaic.version = 14 : i64} {
  func.func @_emb_body(%arg0: i32, %arg1: i32, %arg2: memref<819200xi32, #tpu.memory_space<hbm>>, %arg3: memref<500000x128xf32, #tpu.memory_space<hbm>>, %arg4: memref<819200x64xf32, #tpu.memory_space<hbm>>, %arg5: memref<25616xi32, #tpu.memory_space<vmem>>, %arg6: memref<160xi32, #tpu.memory_space<vmem>>, %arg7: memref<160xi32, #tpu.memory_space<vmem>>, %arg8: memref<160x128xf32, #tpu.memory_space<vmem>>, %arg9: memref<160x128xf32, #tpu.memory_space<vmem>>, %arg10: memref<160x64xf32, #tpu.memory_space<vmem>>, %arg11: memref<160x64xf32, #tpu.memory_space<vmem>>, %arg12: memref<!tpu.dma_semaphore, #tpu.memory_space<semaphore_mem>>, %arg13: memref<!tpu.dma_semaphore, #tpu.memory_space<semaphore_mem>>) attributes {dimension_semantics = [#tpu.dimension_semantics<core_parallel>, #tpu.dimension_semantics<subcore_parallel>], iteration_bounds = array<i64: 2, 16>, scalar_prefetch = 0 : i64, scratch_operands = 9 : i64, tpu.core_type = #tpu.core_type<sc_vector_subcore>, window_params = [{transform_indices = #map}, {transform_indices = #map1}, {transform_indices = #map1}]} {
    %mul3A = arith.constant 2 : i32
    %mul3A_0 = arith.muli %arg1, %mul3A : i32
    %add3A = arith.addi %mul3A_0, %arg0 : i32
    %mul3A_1 = arith.constant 25600 : i32
    %mul3A_2 = arith.muli %add3A, %mul3A_1 : i32
    "tpu.region"() ({
      %run_scoped3A = tpu.sem_alloc : memref<!tpu.dma_semaphore, #tpu.memory_space<semaphore_mem>>
      %dma_start3A_101 = arith.constant 0 : i32
      %dma_start3A_102 = tpu.memref_slice %arg5[%dma_start3A_101] : memref<25616xi32, #tpu.memory_space<vmem>> -> memref<25600xi32, #tpu.memory_space<vmem>>
      %dma_start3A_103 = tpu.memref_slice %arg2[%mul3A_2] : memref<819200xi32, #tpu.memory_space<hbm>> -> memref<25600xi32, #tpu.memory_space<hbm>>
      %dma_start3A_104 = arith.constant 0 : i32
      %dma_start3A_105 = tpu.memref_slice %arg5[%dma_start3A_104] : memref<25616xi32, #tpu.memory_space<vmem>> -> memref<25600xi32, #tpu.memory_space<vmem>>
      %dma_start3A_106 = tpu.memref_slice %arg2[%mul3A_2] : memref<819200xi32, #tpu.memory_space<hbm>> -> memref<25600xi32, #tpu.memory_space<hbm>>
      tpu.enqueue_dma source(%dma_start3A_106 : memref<25600xi32, #tpu.memory_space<hbm>>) target(%dma_start3A_105 : memref<25600xi32, #tpu.memory_space<vmem>>) target_semaphore(%run_scoped3A : memref<!tpu.dma_semaphore, #tpu.memory_space<semaphore_mem>>)
      %dma_wait3A_107 = arith.constant 0 : i32
      %dma_wait3A_108 = tpu.memref_slice %arg5[%dma_wait3A_107] : memref<25616xi32, #tpu.memory_space<vmem>> -> memref<25600xi32, #tpu.memory_space<vmem>>
      %dma_wait3A_109 = tpu.memref_slice %arg2[%mul3A_2] : memref<819200xi32, #tpu.memory_space<hbm>> -> memref<25600xi32, #tpu.memory_space<hbm>>
      %dma_wait3A_110 = arith.constant 0 : i32
      %dma_wait3A_111 = tpu.memref_slice %arg5[%dma_wait3A_110] : memref<25616xi32, #tpu.memory_space<vmem>> -> memref<25600xi32, #tpu.memory_space<vmem>>
      %dma_wait3A_112 = tpu.memref_slice %arg2[%mul3A_2] : memref<819200xi32, #tpu.memory_space<hbm>> -> memref<25600xi32, #tpu.memory_space<hbm>>
      tpu.wait_dma2 semaphore(%run_scoped3A : memref<!tpu.dma_semaphore, #tpu.memory_space<semaphore_mem>>) src(%dma_wait3A_112 : memref<25600xi32, #tpu.memory_space<hbm>>) dst(%dma_wait3A_111 : memref<25600xi32, #tpu.memory_space<vmem>>)
      tpu.yield
    }) : () -> ()
    %scan3A = arith.constant 0 : i32
    %scan3A_3 = arith.constant 0 : i32
    %scan3A_4 = arith.constant 8 : i32
    %scan3A_5 = arith.addi %scan3A_3, %scan3A_4 : i32
    %scan3A_6 = arith.constant 4 : i32
    scf.for %scan3A_101 = %scan3A_3 to %scan3A_5 step %scan3A_6  : i32 {
      %mul3A_102 = arith.constant 16 : i32
      %mul3A_103 = arith.muli %scan3A_101, %mul3A_102 : i32
      %add3A_104 = arith.constant 0 : i32
      %add3A_105 = arith.addi %add3A_104, %mul3A_103 : i32
      %get3A_106 = arith.index_cast %add3A_105 : i32 to index
      %get3A_107 = tpu.vector_load %arg5[%get3A_106] {strides = array<i32>} : memref<25616xi32, #tpu.memory_space<vmem>>, vector<16xi32>,
      %get3A_108 = vector.shape_cast %get3A_107 : vector<16xi32> to vector<16xi32>
      %shift_right_logical3A_109 = arith.constant 1 : i32
      %shift_right_logical3A_110 = vector.broadcast %shift_right_logical3A_109 : i32 to vector<16xi32>
      %shift_right_logical3A_111 = arith.shrui %get3A_108, %shift_right_logical3A_110 : vector<16xi32>
      %mul3A_112 = arith.constant 16 : i32
      %mul3A_113 = arith.muli %scan3A_101, %mul3A_112 : i32
      %swap3A_114 = arith.index_cast %mul3A_113 : i32 to index
      %swap3A_115 = tpu.vector_load %arg6[%swap3A_114] {strides = array<i32>} : memref<160xi32, #tpu.memory_space<vmem>>, vector<16xi32>,
      %swap3A_116 = vector.shape_cast %swap3A_115 : vector<16xi32> to vector<16xi32>
      %swap3A_117 = vector.shape_cast %shift_right_logical3A_111 : vector<16xi32> to vector<16xi32>
      tpu.vector_store %arg6[%swap3A_114], %swap3A_117 {strides = array<i32>} : memref<160xi32, #tpu.memory_space<vmem>>, vector<16xi32>,
      %scan3A_118 = arith.constant 1 : i32
      %scan3A_119 = arith.addi %scan3A_101, %scan3A_118 : i32
      %mul3A_120 = arith.constant 16 : i32
      %mul3A_121 = arith.muli %scan3A_119, %mul3A_120 : i32
      %add3A_122 = arith.constant 0 : i32
      %add3A_123 = arith.addi %add3A_122, %mul3A_121 : i32
      %get3A_124 = arith.index_cast %add3A_123 : i32 to index
      %get3A_125 = tpu.vector_load %arg5[%get3A_124] {strides = array<i32>} : memref<25616xi32, #tpu.memory_space<vmem>>, vector<16xi32>,
      %get3A_126 = vector.shape_cast %get3A_125 : vector<16xi32> to vector<16xi32>
      %shift_right_logical3A_127 = arith.constant 1 : i32
      %shift_right_logical3A_128 = vector.broadcast %shift_right_logical3A_127 : i32 to vector<16xi32>
      %shift_right_logical3A_129 = arith.shrui %get3A_126, %shift_right_logical3A_128 : vector<16xi32>
      %mul3A_130 = arith.constant 16 : i32
      %mul3A_131 = arith.muli %scan3A_119, %mul3A_130 : i32
      %swap3A_132 = arith.index_cast %mul3A_131 : i32 to index
      %swap3A_133 = tpu.vector_load %arg6[%swap3A_132] {strides = array<i32>} : memref<160xi32, #tpu.memory_space<vmem>>, vector<16xi32>,
      %swap3A_134 = vector.shape_cast %swap3A_133 : vector<16xi32> to vector<16xi32>
      %swap3A_135 = vector.shape_cast %shift_right_logical3A_129 : vector<16xi32> to vector<16xi32>
      tpu.vector_store %arg6[%swap3A_132], %swap3A_135 {strides = array<i32>} : memref<160xi32, #tpu.memory_space<vmem>>, vector<16xi32>,
      %scan3A_136 = arith.constant 2 : i32
      %scan3A_137 = arith.addi %scan3A_101, %scan3A_136 : i32
      %mul3A_138 = arith.constant 16 : i32
      %mul3A_139 = arith.muli %scan3A_137, %mul3A_138 : i32
      %add3A_140 = arith.constant 0 : i32
      %add3A_141 = arith.addi %add3A_140, %mul3A_139 : i32
      %get3A_142 = arith.index_cast %add3A_141 : i32 to index
      %get3A_143 = tpu.vector_load %arg5[%get3A_142] {strides = array<i32>} : memref<25616xi32, #tpu.memory_space<vmem>>, vector<16xi32>,
      %get3A_144 = vector.shape_cast %get3A_143 : vector<16xi32> to vector<16xi32>
      %shift_right_logical3A_145 = arith.constant 1 : i32
      %shift_right_logical3A_146 = vector.broadcast %shift_right_logical3A_145 : i32 to vector<16xi32>
      %shift_right_logical3A_147 = arith.shrui %get3A_144, %shift_right_logical3A_146 : vector<16xi32>
      %mul3A_148 = arith.constant 16 : i32
      %mul3A_149 = arith.muli %scan3A_137, %mul3A_148 : i32
      %swap3A_150 = arith.index_cast %mul3A_149 : i32 to index
      %swap3A_151 = tpu.vector_load %arg6[%swap3A_150] {strides = array<i32>} : memref<160xi32, #tpu.memory_space<vmem>>, vector<16xi32>,
      %swap3A_152 = vector.shape_cast %swap3A_151 : vector<16xi32> to vector<16xi32>
      %swap3A_153 = vector.shape_cast %shift_right_logical3A_147 : vector<16xi32> to vector<16xi32>
      tpu.vector_store %arg6[%swap3A_150], %swap3A_153 {strides = array<i32>} : memref<160xi32, #tpu.memory_space<vmem>>, vector<16xi32>,
      %scan3A_154 = arith.constant 3 : i32
      %scan3A_155 = arith.addi %scan3A_101, %scan3A_154 : i32
      %mul3A_156 = arith.constant 16 : i32
      %mul3A_157 = arith.muli %scan3A_155, %mul3A_156 : i32
      %add3A_158 = arith.constant 0 : i32
      %add3A_159 = arith.addi %add3A_158, %mul3A_157 : i32
      %get3A_160 = arith.index_cast %add3A_159 : i32 to index
      %get3A_161 = tpu.vector_load %arg5[%get3A_160] {strides = array<i32>} : memref<25616xi32, #tpu.memory_space<vmem>>, vector<16xi32>,
      %get3A_162 = vector.shape_cast %get3A_161 : vector<16xi32> to vector<16xi32>
      %shift_right_logical3A_163 = arith.constant 1 : i32
      %shift_right_logical3A_164 = vector.broadcast %shift_right_logical3A_163 : i32 to vector<16xi32>
      %shift_right_logical3A_165 = arith.shrui %get3A_162, %shift_right_logical3A_164 : vector<16xi32>
      %mul3A_166 = arith.constant 16 : i32
      %mul3A_167 = arith.muli %scan3A_155, %mul3A_166 : i32
      %swap3A_168 = arith.index_cast %mul3A_167 : i32 to index
      %swap3A_169 = tpu.vector_load %arg6[%swap3A_168] {strides = array<i32>} : memref<160xi32, #tpu.memory_space<vmem>>, vector<16xi32>,
      %swap3A_170 = vector.shape_cast %swap3A_169 : vector<16xi32> to vector<16xi32>
      %swap3A_171 = vector.shape_cast %shift_right_logical3A_165 : vector<16xi32> to vector<16xi32>
      tpu.vector_store %arg6[%swap3A_168], %swap3A_171 {strides = array<i32>} : memref<160xi32, #tpu.memory_space<vmem>>, vector<16xi32>,
    }
    %scan3A_7 = arith.constant 8 : i32
    %scan3A_8 = arith.addi %scan3A_3, %scan3A_7 : i32
    %mul3A_9 = arith.constant 16 : i32
    %mul3A_10 = arith.muli %scan3A_8, %mul3A_9 : i32
    %add3A_11 = arith.constant 0 : i32
    %add3A_12 = arith.addi %add3A_11, %mul3A_10 : i32
    %get3A = arith.index_cast %add3A_12 : i32 to index
    %get3A_13 = tpu.vector_load %arg5[%get3A] {strides = array<i32>} : memref<25616xi32, #tpu.memory_space<vmem>>, vector<16xi32>,
    %get3A_14 = vector.shape_cast %get3A_13 : vector<16xi32> to vector<16xi32>
    %shift_right_logical3A = arith.constant 1 : i32
    %shift_right_logical3A_15 = vector.broadcast %shift_right_logical3A : i32 to vector<16xi32>
    %shift_right_logical3A_16 = arith.shrui %get3A_14, %shift_right_logical3A_15 : vector<16xi32>
    %mul3A_17 = arith.constant 16 : i32
    %mul3A_18 = arith.muli %scan3A_8, %mul3A_17 : i32
    %swap3A = arith.index_cast %mul3A_18 : i32 to index
    %swap3A_19 = tpu.vector_load %arg6[%swap3A] {strides = array<i32>} : memref<160xi32, #tpu.memory_space<vmem>>, vector<16xi32>,
    %swap3A_20 = vector.shape_cast %swap3A_19 : vector<16xi32> to vector<16xi32>
    %swap3A_21 = vector.shape_cast %shift_right_logical3A_16 : vector<16xi32> to vector<16xi32>
    tpu.vector_store %arg6[%swap3A], %swap3A_21 {strides = array<i32>} : memref<160xi32, #tpu.memory_space<vmem>>, vector<16xi32>,
    %scan3A_22 = arith.constant 9 : i32
    %scan3A_23 = arith.addi %scan3A_3, %scan3A_22 : i32
    %mul3A_24 = arith.constant 16 : i32
    %mul3A_25 = arith.muli %scan3A_23, %mul3A_24 : i32
    %add3A_26 = arith.constant 0 : i32
    %add3A_27 = arith.addi %add3A_26, %mul3A_25 : i32
    %get3A_28 = arith.index_cast %add3A_27 : i32 to index
    %get3A_29 = tpu.vector_load %arg5[%get3A_28] {strides = array<i32>} : memref<25616xi32, #tpu.memory_space<vmem>>, vector<16xi32>,
    %get3A_30 = vector.shape_cast %get3A_29 : vector<16xi32> to vector<16xi32>
    %shift_right_logical3A_31 = arith.constant 1 : i32
    %shift_right_logical3A_32 = vector.broadcast %shift_right_logical3A_31 : i32 to vector<16xi32>
    %shift_right_logical3A_33 = arith.shrui %get3A_30, %shift_right_logical3A_32 : vector<16xi32>
    %mul3A_34 = arith.constant 16 : i32
    %mul3A_35 = arith.muli %scan3A_23, %mul3A_34 : i32
    %swap3A_36 = arith.index_cast %mul3A_35 : i32 to index
    %swap3A_37 = tpu.vector_load %arg6[%swap3A_36] {strides = array<i32>} : memref<160xi32, #tpu.memory_space<vmem>>, vector<16xi32>,
    %swap3A_38 = vector.shape_cast %swap3A_37 : vector<16xi32> to vector<16xi32>
    %swap3A_39 = vector.shape_cast %shift_right_logical3A_33 : vector<16xi32> to vector<16xi32>
    tpu.vector_store %arg6[%swap3A_36], %swap3A_39 {strides = array<i32>} : memref<160xi32, #tpu.memory_space<vmem>>, vector<16xi32>,
    %scan3A_40 = arith.constant 10 : i32
    %dma_start3A = arith.constant 0 : i32
    %dma_start3A_41 = arith.constant 0 : i32
    %dma_start3A_42 = tpu.memref_slice %arg3[%dma_start3A, %dma_start3A_41] : memref<500000x128xf32, #tpu.memory_space<hbm>> -> memref<500000x128xf32, #tpu.memory_space<hbm>>
    tpu.enqueue_indirect_dma source(%dma_start3A_42 : memref<500000x128xf32, #tpu.memory_space<hbm>>) target(%arg8 : memref<160x128xf32, #tpu.memory_space<vmem>>) offsets(%arg6 : memref<160xi32, #tpu.memory_space<vmem>>) semaphore(%arg12 : memref<!tpu.dma_semaphore, #tpu.memory_space<semaphore_mem>>)
    %scan3A_43 = arith.constant 0 : i32
    %scan3A_44 = arith.constant 0 : i32
    %scan3A_45 = arith.constant 8 : i32
    %scan3A_46 = arith.addi %scan3A_44, %scan3A_45 : i32
    %scan3A_47 = arith.constant 4 : i32
    scf.for %scan3A_101 = %scan3A_44 to %scan3A_46 step %scan3A_47  : i32 {
      %mul3A_102 = arith.constant 16 : i32
      %mul3A_103 = arith.muli %scan3A_101, %mul3A_102 : i32
      %add3A_104 = arith.constant 160 : i32
      %add3A_105 = arith.addi %add3A_104, %mul3A_103 : i32
      %get3A_106 = arith.index_cast %add3A_105 : i32 to index
      %get3A_107 = tpu.vector_load %arg5[%get3A_106] {strides = array<i32>} : memref<25616xi32, #tpu.memory_space<vmem>>, vector<16xi32>,
      %get3A_108 = vector.shape_cast %get3A_107 : vector<16xi32> to vector<16xi32>
      %shift_right_logical3A_109 = arith.constant 1 : i32
      %shift_right_logical3A_110 = vector.broadcast %shift_right_logical3A_109 : i32 to vector<16xi32>
      %shift_right_logical3A_111 = arith.shrui %get3A_108, %shift_right_logical3A_110 : vector<16xi32>
      %mul3A_112 = arith.constant 16 : i32
      %mul3A_113 = arith.muli %scan3A_101, %mul3A_112 : i32
      %swap3A_114 = arith.index_cast %mul3A_113 : i32 to index
      %swap3A_115 = tpu.vector_load %arg7[%swap3A_114] {strides = array<i32>} : memref<160xi32, #tpu.memory_space<vmem>>, vector<16xi32>,
      %swap3A_116 = vector.shape_cast %swap3A_115 : vector<16xi32> to vector<16xi32>
      %swap3A_117 = vector.shape_cast %shift_right_logical3A_111 : vector<16xi32> to vector<16xi32>
      tpu.vector_store %arg7[%swap3A_114], %swap3A_117 {strides = array<i32>} : memref<160xi32, #tpu.memory_space<vmem>>, vector<16xi32>,
      %scan3A_118 = arith.constant 1 : i32
      %scan3A_119 = arith.addi %scan3A_101, %scan3A_118 : i32
      %mul3A_120 = arith.constant 16 : i32
      %mul3A_121 = arith.muli %scan3A_119, %mul3A_120 : i32
      %add3A_122 = arith.constant 160 : i32
      %add3A_123 = arith.addi %add3A_122, %mul3A_121 : i32
      %get3A_124 = arith.index_cast %add3A_123 : i32 to index
      %get3A_125 = tpu.vector_load %arg5[%get3A_124] {strides = array<i32>} : memref<25616xi32, #tpu.memory_space<vmem>>, vector<16xi32>,
      %get3A_126 = vector.shape_cast %get3A_125 : vector<16xi32> to vector<16xi32>
      %shift_right_logical3A_127 = arith.constant 1 : i32
      %shift_right_logical3A_128 = vector.broadcast %shift_right_logical3A_127 : i32 to vector<16xi32>
      %shift_right_logical3A_129 = arith.shrui %get3A_126, %shift_right_logical3A_128 : vector<16xi32>
      %mul3A_130 = arith.constant 16 : i32
      %mul3A_131 = arith.muli %scan3A_119, %mul3A_130 : i32
      %swap3A_132 = arith.index_cast %mul3A_131 : i32 to index
      %swap3A_133 = tpu.vector_load %arg7[%swap3A_132] {strides = array<i32>} : memref<160xi32, #tpu.memory_space<vmem>>, vector<16xi32>,
      %swap3A_134 = vector.shape_cast %swap3A_133 : vector<16xi32> to vector<16xi32>
      %swap3A_135 = vector.shape_cast %shift_right_logical3A_129 : vector<16xi32> to vector<16xi32>
      tpu.vector_store %arg7[%swap3A_132], %swap3A_135 {strides = array<i32>} : memref<160xi32, #tpu.memory_space<vmem>>, vector<16xi32>,
      %scan3A_136 = arith.constant 2 : i32
      %scan3A_137 = arith.addi %scan3A_101, %scan3A_136 : i32
      %mul3A_138 = arith.constant 16 : i32
      %mul3A_139 = arith.muli %scan3A_137, %mul3A_138 : i32
      %add3A_140 = arith.constant 160 : i32
      %add3A_141 = arith.addi %add3A_140, %mul3A_139 : i32
      %get3A_142 = arith.index_cast %add3A_141 : i32 to index
      %get3A_143 = tpu.vector_load %arg5[%get3A_142] {strides = array<i32>} : memref<25616xi32, #tpu.memory_space<vmem>>, vector<16xi32>,
      %get3A_144 = vector.shape_cast %get3A_143 : vector<16xi32> to vector<16xi32>
      %shift_right_logical3A_145 = arith.constant 1 : i32
      %shift_right_logical3A_146 = vector.broadcast %shift_right_logical3A_145 : i32 to vector<16xi32>
      %shift_right_logical3A_147 = arith.shrui %get3A_144, %shift_right_logical3A_146 : vector<16xi32>
      %mul3A_148 = arith.constant 16 : i32
      %mul3A_149 = arith.muli %scan3A_137, %mul3A_148 : i32
      %swap3A_150 = arith.index_cast %mul3A_149 : i32 to index
      %swap3A_151 = tpu.vector_load %arg7[%swap3A_150] {strides = array<i32>} : memref<160xi32, #tpu.memory_space<vmem>>, vector<16xi32>,
      %swap3A_152 = vector.shape_cast %swap3A_151 : vector<16xi32> to vector<16xi32>
      %swap3A_153 = vector.shape_cast %shift_right_logical3A_147 : vector<16xi32> to vector<16xi32>
      tpu.vector_store %arg7[%swap3A_150], %swap3A_153 {strides = array<i32>} : memref<160xi32, #tpu.memory_space<vmem>>, vector<16xi32>,
      %scan3A_154 = arith.constant 3 : i32
      %scan3A_155 = arith.addi %scan3A_101, %scan3A_154 : i32
      %mul3A_156 = arith.constant 16 : i32
      %mul3A_157 = arith.muli %scan3A_155, %mul3A_156 : i32
      %add3A_158 = arith.constant 160 : i32
      %add3A_159 = arith.addi %add3A_158, %mul3A_157 : i32
      %get3A_160 = arith.index_cast %add3A_159 : i32 to index
      %get3A_161 = tpu.vector_load %arg5[%get3A_160] {strides = array<i32>} : memref<25616xi32, #tpu.memory_space<vmem>>, vector<16xi32>,
      %get3A_162 = vector.shape_cast %get3A_161 : vector<16xi32> to vector<16xi32>
      %shift_right_logical3A_163 = arith.constant 1 : i32
      %shift_right_logical3A_164 = vector.broadcast %shift_right_logical3A_163 : i32 to vector<16xi32>
      %shift_right_logical3A_165 = arith.shrui %get3A_162, %shift_right_logical3A_164 : vector<16xi32>
      %mul3A_166 = arith.constant 16 : i32
      %mul3A_167 = arith.muli %scan3A_155, %mul3A_166 : i32
      %swap3A_168 = arith.index_cast %mul3A_167 : i32 to index
      %swap3A_169 = tpu.vector_load %arg7[%swap3A_168] {strides = array<i32>} : memref<160xi32, #tpu.memory_space<vmem>>, vector<16xi32>,
      %swap3A_170 = vector.shape_cast %swap3A_169 : vector<16xi32> to vector<16xi32>
      %swap3A_171 = vector.shape_cast %shift_right_logical3A_165 : vector<16xi32> to vector<16xi32>
      tpu.vector_store %arg7[%swap3A_168], %swap3A_171 {strides = array<i32>} : memref<160xi32, #tpu.memory_space<vmem>>, vector<16xi32>,
    }
    %scan3A_48 = arith.constant 8 : i32
    %scan3A_49 = arith.addi %scan3A_44, %scan3A_48 : i32
    %mul3A_50 = arith.constant 16 : i32
    %mul3A_51 = arith.muli %scan3A_49, %mul3A_50 : i32
    %add3A_52 = arith.constant 160 : i32
    %add3A_53 = arith.addi %add3A_52, %mul3A_51 : i32
    %get3A_54 = arith.index_cast %add3A_53 : i32 to index
    %get3A_55 = tpu.vector_load %arg5[%get3A_54] {strides = array<i32>} : memref<25616xi32, #tpu.memory_space<vmem>>, vector<16xi32>,
    %get3A_56 = vector.shape_cast %get3A_55 : vector<16xi32> to vector<16xi32>
    %shift_right_logical3A_57 = arith.constant 1 : i32
    %shift_right_logical3A_58 = vector.broadcast %shift_right_logical3A_57 : i32 to vector<16xi32>
    %shift_right_logical3A_59 = arith.shrui %get3A_56, %shift_right_logical3A_58 : vector<16xi32>
    %mul3A_60 = arith.constant 16 : i32
    %mul3A_61 = arith.muli %scan3A_49, %mul3A_60 : i32
    %swap3A_62 = arith.index_cast %mul3A_61 : i32 to index
    %swap3A_63 = tpu.vector_load %arg7[%swap3A_62] {strides = array<i32>} : memref<160xi32, #tpu.memory_space<vmem>>, vector<16xi32>,
    %swap3A_64 = vector.shape_cast %swap3A_63 : vector<16xi32> to vector<16xi32>
    %swap3A_65 = vector.shape_cast %shift_right_logical3A_59 : vector<16xi32> to vector<16xi32>
    tpu.vector_store %arg7[%swap3A_62], %swap3A_65 {strides = array<i32>} : memref<160xi32, #tpu.memory_space<vmem>>, vector<16xi32>,
    %scan3A_66 = arith.constant 9 : i32
    %scan3A_67 = arith.addi %scan3A_44, %scan3A_66 : i32
    %mul3A_68 = arith.constant 16 : i32
    %mul3A_69 = arith.muli %scan3A_67, %mul3A_68 : i32
    %add3A_70 = arith.constant 160 : i32
    %add3A_71 = arith.addi %add3A_70, %mul3A_69 : i32
    %get3A_72 = arith.index_cast %add3A_71 : i32 to index
    %get3A_73 = tpu.vector_load %arg5[%get3A_72] {strides = array<i32>} : memref<25616xi32, #tpu.memory_space<vmem>>, vector<16xi32>,
    %get3A_74 = vector.shape_cast %get3A_73 : vector<16xi32> to vector<16xi32>
    %shift_right_logical3A_75 = arith.constant 1 : i32
    %shift_right_logical3A_76 = vector.broadcast %shift_right_logical3A_75 : i32 to vector<16xi32>
    %shift_right_logical3A_77 = arith.shrui %get3A_74, %shift_right_logical3A_76 : vector<16xi32>
    %mul3A_78 = arith.constant 16 : i32
    %mul3A_79 = arith.muli %scan3A_67, %mul3A_78 : i32
    %swap3A_80 = arith.index_cast %mul3A_79 : i32 to index
    %swap3A_81 = tpu.vector_load %arg7[%swap3A_80] {strides = array<i32>} : memref<160xi32, #tpu.memory_space<vmem>>, vector<16xi32>,
    %swap3A_82 = vector.shape_cast %swap3A_81 : vector<16xi32> to vector<16xi32>
    %swap3A_83 = vector.shape_cast %shift_right_logical3A_77 : vector<16xi32> to vector<16xi32>
    tpu.vector_store %arg7[%swap3A_80], %swap3A_83 {strides = array<i32>} : memref<160xi32, #tpu.memory_space<vmem>>, vector<16xi32>,
    %scan3A_84 = arith.constant 10 : i32
    %dma_start3A_85 = arith.constant 0 : i32
    %dma_start3A_86 = arith.constant 0 : i32
    %dma_start3A_87 = tpu.memref_slice %arg3[%dma_start3A_85, %dma_start3A_86] : memref<500000x128xf32, #tpu.memory_space<hbm>> -> memref<500000x128xf32, #tpu.memory_space<hbm>>
    tpu.enqueue_indirect_dma source(%dma_start3A_87 : memref<500000x128xf32, #tpu.memory_space<hbm>>) target(%arg9 : memref<160x128xf32, #tpu.memory_space<vmem>>) offsets(%arg7 : memref<160xi32, #tpu.memory_space<vmem>>) semaphore(%arg12 : memref<!tpu.dma_semaphore, #tpu.memory_space<semaphore_mem>>)
    %scan3A_88 = arith.constant 0 : i32
    %scan3A_89 = arith.constant 0 : i32
    %scan3A_90 = arith.constant 80 : i32
    %scan3A_91 = arith.addi %scan3A_89, %scan3A_90 : i32
    %scan3A_92 = arith.constant 1 : i32
    scf.for %scan3A_101 = %scan3A_89 to %scan3A_91 step %scan3A_92  : i32 {
      %mul3A_102 = arith.constant 2 : i32
      %mul3A_103 = arith.muli %mul3A_102, %scan3A_101 : i32
      %dma_wait3A_104 = arith.constant 0 : i32
      %dma_wait3A_105 = arith.constant 0 : i32
      %dma_wait3A_106 = tpu.memref_slice %arg3[%dma_wait3A_104, %dma_wait3A_105] : memref<500000x128xf32, #tpu.memory_space<hbm>> -> memref<500000x128xf32, #tpu.memory_space<hbm>>
      tpu.wait_indirect_dma semaphore(%arg12 : memref<!tpu.dma_semaphore, #tpu.memory_space<semaphore_mem>>) src(%dma_wait3A_106 : memref<500000x128xf32, #tpu.memory_space<hbm>>) dst(%arg8 : memref<160x128xf32, #tpu.memory_space<vmem>>)
      %ge3A = arith.constant 2 : i32
      %ge3A_107 = arith.cmpi sge, %mul3A_103, %ge3A : i32
      %convert_element_type3A = arith.extui %ge3A_107 : i1 to i32
      %cond3A = arith.constant 0 : i32
      %cond3A_108 = arith.cmpi ne, %convert_element_type3A, %cond3A : i32
      scf.if %cond3A_108 {
        %dma_wait3A_153 = arith.constant 0 : i32
        %dma_wait3A_154 = tpu.memref_slice %arg4[%mul3A_2, %dma_wait3A_153] : memref<819200x64xf32, #tpu.memory_space<hbm>> -> memref<160x64xf32, #tpu.memory_space<hbm>>
        %dma_wait3A_155 = arith.constant 0 : i32
        %dma_wait3A_156 = tpu.memref_slice %arg4[%mul3A_2, %dma_wait3A_155] : memref<819200x64xf32, #tpu.memory_space<hbm>> -> memref<160x64xf32, #tpu.memory_space<hbm>>
        tpu.wait_dma2 semaphore(%arg13 : memref<!tpu.dma_semaphore, #tpu.memory_space<semaphore_mem>>) src(%arg10 : memref<160x64xf32, #tpu.memory_space<vmem>>) dst(%dma_wait3A_156 : memref<160x64xf32, #tpu.memory_space<hbm>>)
      } else {
      }
      %parallel_loop3A = arith.constant 0 : i32
      %parallel_loop3A_109 = arith.constant 160 : i32
      %parallel_loop3A_110 = arith.constant 1 : i32
      scf.for %parallel_loop3A_153 = %parallel_loop3A to %parallel_loop3A_109 step %parallel_loop3A_110  : i32 {
        %parallel_loop3A_154 = arith.constant 160 : i32
        %parallel_loop3A_155 = arith.muli %mul3A_103, %parallel_loop3A_154 : i32
        %parallel_loop3A_156 = arith.addi %parallel_loop3A_155, %parallel_loop3A_153 : i32
        %parallel_loop3A_157 = arith.index_cast %parallel_loop3A_156 : i32 to index
        %parallel_loop3A_158 = tpu.vector_load %arg5[%parallel_loop3A_157] {strides = array<i32>} : memref<25616xi32, #tpu.memory_space<vmem>>, vector<16xi32>,
        %parallel_loop3A_159 = vector.shape_cast %parallel_loop3A_158 : vector<16xi32> to vector<16xi32>
        %parallel_loop3A_160 = vector.extract_strided_slice %parallel_loop3A_159 {offsets = [0], sizes = [1], strides = [1]} : vector<16xi32> to vector<1xi32>
        %parallel_loop3A_161 = vector.extract %parallel_loop3A_160[0] : i32 from vector<1xi32>
        %parallel_loop3A_162 = arith.constant 1 : i32
        %parallel_loop3A_163 = arith.andi %parallel_loop3A_161, %parallel_loop3A_162 : i32
        %parallel_loop3A_164 = arith.constant 64 : i32
        %parallel_loop3A_165 = arith.muli %parallel_loop3A_163, %parallel_loop3A_164 : i32
        %parallel_loop3A_166 = arith.constant 0 : i32
        %parallel_loop3A_167 = arith.addi %parallel_loop3A_165, %parallel_loop3A_166 : i32
        %parallel_loop3A_168 = arith.index_cast %parallel_loop3A_153 : i32 to index
        %parallel_loop3A_169 = arith.index_cast %parallel_loop3A_167 : i32 to index
        %parallel_loop3A_170 = tpu.vector_load %arg8[%parallel_loop3A_168, %parallel_loop3A_169] {strides = array<i32>} : memref<160x128xf32, #tpu.memory_space<vmem>>, vector<1x16xf32>,
        %parallel_loop3A_171 = vector.shape_cast %parallel_loop3A_170 : vector<1x16xf32> to vector<16xf32>
        %parallel_loop3A_172 = arith.constant 8.000000e+00 : f32
        %parallel_loop3A_173 = vector.broadcast %parallel_loop3A_172 : f32 to vector<16xf32>
        %parallel_loop3A_174 = arith.mulf %parallel_loop3A_171, %parallel_loop3A_173 : vector<16xf32>
        %parallel_loop3A_175 = arith.index_cast %parallel_loop3A_153 : i32 to index
        %parallel_loop3A_176 = arith.constant 0 : index
        %parallel_loop3A_177 = tpu.vector_load %arg10[%parallel_loop3A_175, %parallel_loop3A_176] {strides = array<i32>} : memref<160x64xf32, #tpu.memory_space<vmem>>, vector<1x16xf32>,
        %parallel_loop3A_178 = vector.shape_cast %parallel_loop3A_177 : vector<1x16xf32> to vector<16xf32>
        %parallel_loop3A_179 = vector.shape_cast %parallel_loop3A_174 : vector<16xf32> to vector<1x16xf32>
        tpu.vector_store %arg10[%parallel_loop3A_175, %parallel_loop3A_176], %parallel_loop3A_179 {strides = array<i32>} : memref<160x64xf32, #tpu.memory_space<vmem>>, vector<1x16xf32>,
        %parallel_loop3A_180 = arith.constant 16 : i32
        %parallel_loop3A_181 = arith.addi %parallel_loop3A_165, %parallel_loop3A_180 : i32
        %parallel_loop3A_182 = arith.index_cast %parallel_loop3A_153 : i32 to index
        %parallel_loop3A_183 = arith.index_cast %parallel_loop3A_181 : i32 to index
        %parallel_loop3A_184 = tpu.vector_load %arg8[%parallel_loop3A_182, %parallel_loop3A_183] {strides = array<i32>} : memref<160x128xf32, #tpu.memory_space<vmem>>, vector<1x16xf32>,
        %parallel_loop3A_185 = vector.shape_cast %parallel_loop3A_184 : vector<1x16xf32> to vector<16xf32>
        %parallel_loop3A_186 = arith.constant 8.000000e+00 : f32
        %parallel_loop3A_187 = vector.broadcast %parallel_loop3A_186 : f32 to vector<16xf32>
        %parallel_loop3A_188 = arith.mulf %parallel_loop3A_185, %parallel_loop3A_187 : vector<16xf32>
        %parallel_loop3A_189 = arith.index_cast %parallel_loop3A_153 : i32 to index
        %parallel_loop3A_190 = arith.constant 16 : index
        %parallel_loop3A_191 = tpu.vector_load %arg10[%parallel_loop3A_189, %parallel_loop3A_190] {strides = array<i32>} : memref<160x64xf32, #tpu.memory_space<vmem>>, vector<1x16xf32>,
        %parallel_loop3A_192 = vector.shape_cast %parallel_loop3A_191 : vector<1x16xf32> to vector<16xf32>
        %parallel_loop3A_193 = vector.shape_cast %parallel_loop3A_188 : vector<16xf32> to vector<1x16xf32>
        tpu.vector_store %arg10[%parallel_loop3A_189, %parallel_loop3A_190], %parallel_loop3A_193 {strides = array<i32>} : memref<160x64xf32, #tpu.memory_space<vmem>>, vector<1x16xf32>,
        %parallel_loop3A_194 = arith.constant 32 : i32
        %parallel_loop3A_195 = arith.addi %parallel_loop3A_165, %parallel_loop3A_194 : i32
        %parallel_loop3A_196 = arith.index_cast %parallel_loop3A_153 : i32 to index
        %parallel_loop3A_197 = arith.index_cast %parallel_loop3A_195 : i32 to index
        %parallel_loop3A_198 = tpu.vector_load %arg8[%parallel_loop3A_196, %parallel_loop3A_197] {strides = array<i32>} : memref<160x128xf32, #tpu.memory_space<vmem>>, vector<1x16xf32>,
        %parallel_loop3A_199 = vector.shape_cast %parallel_loop3A_198 : vector<1x16xf32> to vector<16xf32>
        %parallel_loop3A_200 = arith.constant 8.000000e+00 : f32
        %parallel_loop3A_201 = vector.broadcast %parallel_loop3A_200 : f32 to vector<16xf32>
        %parallel_loop3A_202 = arith.mulf %parallel_loop3A_199, %parallel_loop3A_201 : vector<16xf32>
        %parallel_loop3A_203 = arith.index_cast %parallel_loop3A_153 : i32 to index
        %parallel_loop3A_204 = arith.constant 32 : index
        %parallel_loop3A_205 = tpu.vector_load %arg10[%parallel_loop3A_203, %parallel_loop3A_204] {strides = array<i32>} : memref<160x64xf32, #tpu.memory_space<vmem>>, vector<1x16xf32>,
        %parallel_loop3A_206 = vector.shape_cast %parallel_loop3A_205 : vector<1x16xf32> to vector<16xf32>
        %parallel_loop3A_207 = vector.shape_cast %parallel_loop3A_202 : vector<16xf32> to vector<1x16xf32>
        tpu.vector_store %arg10[%parallel_loop3A_203, %parallel_loop3A_204], %parallel_loop3A_207 {strides = array<i32>} : memref<160x64xf32, #tpu.memory_space<vmem>>, vector<1x16xf32>,
        %parallel_loop3A_208 = arith.constant 48 : i32
        %parallel_loop3A_209 = arith.addi %parallel_loop3A_165, %parallel_loop3A_208 : i32
        %parallel_loop3A_210 = arith.index_cast %parallel_loop3A_153 : i32 to index
        %parallel_loop3A_211 = arith.index_cast %parallel_loop3A_209 : i32 to index
        %parallel_loop3A_212 = tpu.vector_load %arg8[%parallel_loop3A_210, %parallel_loop3A_211] {strides = array<i32>} : memref<160x128xf32, #tpu.memory_space<vmem>>, vector<1x16xf32>,
        %parallel_loop3A_213 = vector.shape_cast %parallel_loop3A_212 : vector<1x16xf32> to vector<16xf32>
        %parallel_loop3A_214 = arith.constant 8.000000e+00 : f32
        %parallel_loop3A_215 = vector.broadcast %parallel_loop3A_214 : f32 to vector<16xf32>
        %parallel_loop3A_216 = arith.mulf %parallel_loop3A_213, %parallel_loop3A_215 : vector<16xf32>
        %parallel_loop3A_217 = arith.index_cast %parallel_loop3A_153 : i32 to index
        %parallel_loop3A_218 = arith.constant 48 : index
        %parallel_loop3A_219 = tpu.vector_load %arg10[%parallel_loop3A_217, %parallel_loop3A_218] {strides = array<i32>} : memref<160x64xf32, #tpu.memory_space<vmem>>, vector<1x16xf32>,
        %parallel_loop3A_220 = vector.shape_cast %parallel_loop3A_219 : vector<1x16xf32> to vector<16xf32>
        %parallel_loop3A_221 = vector.shape_cast %parallel_loop3A_216 : vector<16xf32> to vector<1x16xf32>
        tpu.vector_store %arg10[%parallel_loop3A_217, %parallel_loop3A_218], %parallel_loop3A_221 {strides = array<i32>} : memref<160x64xf32, #tpu.memory_space<vmem>>, vector<1x16xf32>,
      } {sc.loop_unroll_factor = 8 : i64, sc.parallel_access}
      %add3A_111 = arith.constant 2 : i32
      %add3A_112 = arith.addi %mul3A_103, %add3A_111 : i32
      %lt3A = arith.constant 160 : i32
      %lt3A_113 = arith.cmpi slt, %add3A_112, %lt3A : i32
      %convert_element_type3A_114 = arith.extui %lt3A_113 : i1 to i32
      %cond3A_115 = arith.constant 0 : i32
      %cond3A_116 = arith.cmpi ne, %convert_element_type3A_114, %cond3A_115 : i32
      scf.if %cond3A_116 {
        %add3A_153 = arith.constant 2 : i32
        %add3A_154 = arith.addi %mul3A_103, %add3A_153 : i32
        %scan3A_155 = arith.constant 0 : i32
        %scan3A_156 = arith.constant 0 : i32
        %scan3A_157 = arith.constant 8 : i32
        %scan3A_158 = arith.addi %scan3A_156, %scan3A_157 : i32
        %scan3A_159 = arith.constant 4 : i32
        scf.for %scan3A_202 = %scan3A_156 to %scan3A_158 step %scan3A_159  : i32 {
          %mul3A_203 = arith.constant 160 : i32
          %mul3A_204 = arith.muli %add3A_154, %mul3A_203 : i32
          %mul3A_205 = arith.constant 16 : i32
          %mul3A_206 = arith.muli %scan3A_202, %mul3A_205 : i32
          %add3A_207 = arith.addi %mul3A_204, %mul3A_206 : i32
          %get3A_208 = arith.index_cast %add3A_207 : i32 to index
          %get3A_209 = tpu.vector_load %arg5[%get3A_208] {strides = array<i32>} : memref<25616xi32, #tpu.memory_space<vmem>>, vector<16xi32>,
          %get3A_210 = vector.shape_cast %get3A_209 : vector<16xi32> to vector<16xi32>
          %shift_right_logical3A_211 = arith.constant 1 : i32
          %shift_right_logical3A_212 = vector.broadcast %shift_right_logical3A_211 : i32 to vector<16xi32>
          %shift_right_logical3A_213 = arith.shrui %get3A_210, %shift_right_logical3A_212 : vector<16xi32>
          %mul3A_214 = arith.constant 16 : i32
          %mul3A_215 = arith.muli %scan3A_202, %mul3A_214 : i32
          %swap3A_216 = arith.index_cast %mul3A_215 : i32 to index
          %swap3A_217 = tpu.vector_load %arg6[%swap3A_216] {strides = array<i32>} : memref<160xi32, #tpu.memory_space<vmem>>, vector<16xi32>,
          %swap3A_218 = vector.shape_cast %swap3A_217 : vector<16xi32> to vector<16xi32>
          %swap3A_219 = vector.shape_cast %shift_right_logical3A_213 : vector<16xi32> to vector<16xi32>
          tpu.vector_store %arg6[%swap3A_216], %swap3A_219 {strides = array<i32>} : memref<160xi32, #tpu.memory_space<vmem>>, vector<16xi32>,
          %scan3A_220 = arith.constant 1 : i32
          %scan3A_221 = arith.addi %scan3A_202, %scan3A_220 : i32
          %mul3A_222 = arith.constant 160 : i32
          %mul3A_223 = arith.muli %add3A_154, %mul3A_222 : i32
          %mul3A_224 = arith.constant 16 : i32
          %mul3A_225 = arith.muli %scan3A_221, %mul3A_224 : i32
          %add3A_226 = arith.addi %mul3A_223, %mul3A_225 : i32
          %get3A_227 = arith.index_cast %add3A_226 : i32 to index
          %get3A_228 = tpu.vector_load %arg5[%get3A_227] {strides = array<i32>} : memref<25616xi32, #tpu.memory_space<vmem>>, vector<16xi32>,
          %get3A_229 = vector.shape_cast %get3A_228 : vector<16xi32> to vector<16xi32>
          %shift_right_logical3A_230 = arith.constant 1 : i32
          %shift_right_logical3A_231 = vector.broadcast %shift_right_logical3A_230 : i32 to vector<16xi32>
          %shift_right_logical3A_232 = arith.shrui %get3A_229, %shift_right_logical3A_231 : vector<16xi32>
          %mul3A_233 = arith.constant 16 : i32
          %mul3A_234 = arith.muli %scan3A_221, %mul3A_233 : i32
          %swap3A_235 = arith.index_cast %mul3A_234 : i32 to index
          %swap3A_236 = tpu.vector_load %arg6[%swap3A_235] {strides = array<i32>} : memref<160xi32, #tpu.memory_space<vmem>>, vector<16xi32>,
          %swap3A_237 = vector.shape_cast %swap3A_236 : vector<16xi32> to vector<16xi32>
          %swap3A_238 = vector.shape_cast %shift_right_logical3A_232 : vector<16xi32> to vector<16xi32>
          tpu.vector_store %arg6[%swap3A_235], %swap3A_238 {strides = array<i32>} : memref<160xi32, #tpu.memory_space<vmem>>, vector<16xi32>,
          %scan3A_239 = arith.constant 2 : i32
          %scan3A_240 = arith.addi %scan3A_202, %scan3A_239 : i32
          %mul3A_241 = arith.constant 160 : i32
          %mul3A_242 = arith.muli %add3A_154, %mul3A_241 : i32
          %mul3A_243 = arith.constant 16 : i32
          %mul3A_244 = arith.muli %scan3A_240, %mul3A_243 : i32
          %add3A_245 = arith.addi %mul3A_242, %mul3A_244 : i32
          %get3A_246 = arith.index_cast %add3A_245 : i32 to index
          %get3A_247 = tpu.vector_load %arg5[%get3A_246] {strides = array<i32>} : memref<25616xi32, #tpu.memory_space<vmem>>, vector<16xi32>,
          %get3A_248 = vector.shape_cast %get3A_247 : vector<16xi32> to vector<16xi32>
          %shift_right_logical3A_249 = arith.constant 1 : i32
          %shift_right_logical3A_250 = vector.broadcast %shift_right_logical3A_249 : i32 to vector<16xi32>
          %shift_right_logical3A_251 = arith.shrui %get3A_248, %shift_right_logical3A_250 : vector<16xi32>
          %mul3A_252 = arith.constant 16 : i32
          %mul3A_253 = arith.muli %scan3A_240, %mul3A_252 : i32
          %swap3A_254 = arith.index_cast %mul3A_253 : i32 to index
          %swap3A_255 = tpu.vector_load %arg6[%swap3A_254] {strides = array<i32>} : memref<160xi32, #tpu.memory_space<vmem>>, vector<16xi32>,
          %swap3A_256 = vector.shape_cast %swap3A_255 : vector<16xi32> to vector<16xi32>
          %swap3A_257 = vector.shape_cast %shift_right_logical3A_251 : vector<16xi32> to vector<16xi32>
          tpu.vector_store %arg6[%swap3A_254], %swap3A_257 {strides = array<i32>} : memref<160xi32, #tpu.memory_space<vmem>>, vector<16xi32>,
          %scan3A_258 = arith.constant 3 : i32
          %scan3A_259 = arith.addi %scan3A_202, %scan3A_258 : i32
          %mul3A_260 = arith.constant 160 : i32
          %mul3A_261 = arith.muli %add3A_154, %mul3A_260 : i32
          %mul3A_262 = arith.constant 16 : i32
          %mul3A_263 = arith.muli %scan3A_259, %mul3A_262 : i32
          %add3A_264 = arith.addi %mul3A_261, %mul3A_263 : i32
          %get3A_265 = arith.index_cast %add3A_264 : i32 to index
          %get3A_266 = tpu.vector_load %arg5[%get3A_265] {strides = array<i32>} : memref<25616xi32, #tpu.memory_space<vmem>>, vector<16xi32>,
          %get3A_267 = vector.shape_cast %get3A_266 : vector<16xi32> to vector<16xi32>
          %shift_right_logical3A_268 = arith.constant 1 : i32
          %shift_right_logical3A_269 = vector.broadcast %shift_right_logical3A_268 : i32 to vector<16xi32>
          %shift_right_logical3A_270 = arith.shrui %get3A_267, %shift_right_logical3A_269 : vector<16xi32>
          %mul3A_271 = arith.constant 16 : i32
          %mul3A_272 = arith.muli %scan3A_259, %mul3A_271 : i32
          %swap3A_273 = arith.index_cast %mul3A_272 : i32 to index
          %swap3A_274 = tpu.vector_load %arg6[%swap3A_273] {strides = array<i32>} : memref<160xi32, #tpu.memory_space<vmem>>, vector<16xi32>,
          %swap3A_275 = vector.shape_cast %swap3A_274 : vector<16xi32> to vector<16xi32>
          %swap3A_276 = vector.shape_cast %shift_right_logical3A_270 : vector<16xi32> to vector<16xi32>
          tpu.vector_store %arg6[%swap3A_273], %swap3A_276 {strides = array<i32>} : memref<160xi32, #tpu.memory_space<vmem>>, vector<16xi32>,
        }
        %scan3A_160 = arith.constant 8 : i32
        %scan3A_161 = arith.addi %scan3A_156, %scan3A_160 : i32
        %mul3A_162 = arith.constant 160 : i32
        %mul3A_163 = arith.muli %add3A_154, %mul3A_162 : i32
        %mul3A_164 = arith.constant 16 : i32
        %mul3A_165 = arith.muli %scan3A_161, %mul3A_164 : i32
        %add3A_166 = arith.addi %mul3A_163, %mul3A_165 : i32
        %get3A_167 = arith.index_cast %add3A_166 : i32 to index
        %get3A_168 = tpu.vector_load %arg5[%get3A_167] {strides = array<i32>} : memref<25616xi32, #tpu.memory_space<vmem>>, vector<16xi32>,
        %get3A_169 = vector.shape_cast %get3A_168 : vector<16xi32> to vector<16xi32>
        %shift_right_logical3A_170 = arith.constant 1 : i32
        %shift_right_logical3A_171 = vector.broadcast %shift_right_logical3A_170 : i32 to vector<16xi32>
        %shift_right_logical3A_172 = arith.shrui %get3A_169, %shift_right_logical3A_171 : vector<16xi32>
        %mul3A_173 = arith.constant 16 : i32
        %mul3A_174 = arith.muli %scan3A_161, %mul3A_173 : i32
        %swap3A_175 = arith.index_cast %mul3A_174 : i32 to index
        %swap3A_176 = tpu.vector_load %arg6[%swap3A_175] {strides = array<i32>} : memref<160xi32, #tpu.memory_space<vmem>>, vector<16xi32>,
        %swap3A_177 = vector.shape_cast %swap3A_176 : vector<16xi32> to vector<16xi32>
        %swap3A_178 = vector.shape_cast %shift_right_logical3A_172 : vector<16xi32> to vector<16xi32>
        tpu.vector_store %arg6[%swap3A_175], %swap3A_178 {strides = array<i32>} : memref<160xi32, #tpu.memory_space<vmem>>, vector<16xi32>,
        %scan3A_179 = arith.constant 9 : i32
        %scan3A_180 = arith.addi %scan3A_156, %scan3A_179 : i32
        %mul3A_181 = arith.constant 160 : i32
        %mul3A_182 = arith.muli %add3A_154, %mul3A_181 : i32
        %mul3A_183 = arith.constant 16 : i32
        %mul3A_184 = arith.muli %scan3A_180, %mul3A_183 : i32
        %add3A_185 = arith.addi %mul3A_182, %mul3A_184 : i32
        %get3A_186 = arith.index_cast %add3A_185 : i32 to index
        %get3A_187 = tpu.vector_load %arg5[%get3A_186] {strides = array<i32>} : memref<25616xi32, #tpu.memory_space<vmem>>, vector<16xi32>,
        %get3A_188 = vector.shape_cast %get3A_187 : vector<16xi32> to vector<16xi32>
        %shift_right_logical3A_189 = arith.constant 1 : i32
        %shift_right_logical3A_190 = vector.broadcast %shift_right_logical3A_189 : i32 to vector<16xi32>
        %shift_right_logical3A_191 = arith.shrui %get3A_188, %shift_right_logical3A_190 : vector<16xi32>
        %mul3A_192 = arith.constant 16 : i32
        %mul3A_193 = arith.muli %scan3A_180, %mul3A_192 : i32
        %swap3A_194 = arith.index_cast %mul3A_193 : i32 to index
        %swap3A_195 = tpu.vector_load %arg6[%swap3A_194] {strides = array<i32>} : memref<160xi32, #tpu.memory_space<vmem>>, vector<16xi32>,
        %swap3A_196 = vector.shape_cast %swap3A_195 : vector<16xi32> to vector<16xi32>
        %swap3A_197 = vector.shape_cast %shift_right_logical3A_191 : vector<16xi32> to vector<16xi32>
        tpu.vector_store %arg6[%swap3A_194], %swap3A_197 {strides = array<i32>} : memref<160xi32, #tpu.memory_space<vmem>>, vector<16xi32>,
        %scan3A_198 = arith.constant 10 : i32
        %dma_start3A_199 = arith.constant 0 : i32
        %dma_start3A_200 = arith.constant 0 : i32
        %dma_start3A_201 = tpu.memref_slice %arg3[%dma_start3A_199, %dma_start3A_200] : memref<500000x128xf32, #tpu.memory_space<hbm>> -> memref<500000x128xf32, #tpu.memory_space<hbm>>
        tpu.enqueue_indirect_dma source(%dma_start3A_201 : memref<500000x128xf32, #tpu.memory_space<hbm>>) target(%arg8 : memref<160x128xf32, #tpu.memory_space<vmem>>) offsets(%arg6 : memref<160xi32, #tpu.memory_space<vmem>>) semaphore(%arg12 : memref<!tpu.dma_semaphore, #tpu.memory_space<semaphore_mem>>)
      } else {
      }
      %mul3A_117 = arith.constant 160 : i32
      %mul3A_118 = arith.muli %mul3A_103, %mul3A_117 : i32
      %add3A_119 = arith.addi %mul3A_2, %mul3A_118 : i32
      %dma_start3A_120 = arith.constant 0 : i32
      %dma_start3A_121 = tpu.memref_slice %arg4[%add3A_119, %dma_start3A_120] : memref<819200x64xf32, #tpu.memory_space<hbm>> -> memref<160x64xf32, #tpu.memory_space<hbm>>
      %dma_start3A_122 = arith.constant 0 : i32
      %dma_start3A_123 = tpu.memref_slice %arg4[%add3A_119, %dma_start3A_122] : memref<819200x64xf32, #tpu.memory_space<hbm>> -> memref<160x64xf32, #tpu.memory_space<hbm>>
      tpu.enqueue_dma source(%arg10 : memref<160x64xf32, #tpu.memory_space<vmem>>) target(%dma_start3A_123 : memref<160x64xf32, #tpu.memory_space<hbm>>) target_semaphore(%arg13 : memref<!tpu.dma_semaphore, #tpu.memory_space<semaphore_mem>>)
      %mul3A_124 = arith.constant 2 : i32
      %mul3A_125 = arith.muli %mul3A_124, %scan3A_101 : i32
      %add3A_126 = arith.constant 1 : i32
      %add3A_127 = arith.addi %mul3A_125, %add3A_126 : i32
      %dma_wait3A_128 = arith.constant 0 : i32
      %dma_wait3A_129 = arith.constant 0 : i32
      %dma_wait3A_130 = tpu.memref_slice %arg3[%dma_wait3A_128, %dma_wait3A_129] : memref<500000x128xf32, #tpu.memory_space<hbm>> -> memref<500000x128xf32, #tpu.memory_space<hbm>>
      tpu.wait_indirect_dma semaphore(%arg12 : memref<!tpu.dma_semaphore, #tpu.memory_space<semaphore_mem>>) src(%dma_wait3A_130 : memref<500000x128xf32, #tpu.memory_space<hbm>>) dst(%arg9 : memref<160x128xf32, #tpu.memory_space<vmem>>)
      %ge3A_131 = arith.constant 2 : i32
      %ge3A_132 = arith.cmpi sge, %add3A_127, %ge3A_131 : i32
      %convert_element_type3A_133 = arith.extui %ge3A_132 : i1 to i32
      %cond3A_134 = arith.constant 0 : i32
      %cond3A_135 = arith.cmpi ne, %convert_element_type3A_133, %cond3A_134 : i32
      scf.if %cond3A_135 {
        %dma_wait3A_153 = arith.constant 0 : i32
        %dma_wait3A_154 = tpu.memref_slice %arg4[%mul3A_2, %dma_wait3A_153] : memref<819200x64xf32, #tpu.memory_space<hbm>> -> memref<160x64xf32, #tpu.memory_space<hbm>>
        %dma_wait3A_155 = arith.constant 0 : i32
        %dma_wait3A_156 = tpu.memref_slice %arg4[%mul3A_2, %dma_wait3A_155] : memref<819200x64xf32, #tpu.memory_space<hbm>> -> memref<160x64xf32, #tpu.memory_space<hbm>>
        tpu.wait_dma2 semaphore(%arg13 : memref<!tpu.dma_semaphore, #tpu.memory_space<semaphore_mem>>) src(%arg11 : memref<160x64xf32, #tpu.memory_space<vmem>>) dst(%dma_wait3A_156 : memref<160x64xf32, #tpu.memory_space<hbm>>)
      } else {
      }
      %parallel_loop3A_136 = arith.constant 0 : i32
      %parallel_loop3A_137 = arith.constant 160 : i32
      %parallel_loop3A_138 = arith.constant 1 : i32
      scf.for %parallel_loop3A_153 = %parallel_loop3A_136 to %parallel_loop3A_137 step %parallel_loop3A_138  : i32 {
        %parallel_loop3A_154 = arith.constant 160 : i32
        %parallel_loop3A_155 = arith.muli %add3A_127, %parallel_loop3A_154 : i32
        %parallel_loop3A_156 = arith.addi %parallel_loop3A_155, %parallel_loop3A_153 : i32
        %parallel_loop3A_157 = arith.index_cast %parallel_loop3A_156 : i32 to index
        %parallel_loop3A_158 = tpu.vector_load %arg5[%parallel_loop3A_157] {strides = array<i32>} : memref<25616xi32, #tpu.memory_space<vmem>>, vector<16xi32>,
        %parallel_loop3A_159 = vector.shape_cast %parallel_loop3A_158 : vector<16xi32> to vector<16xi32>
        %parallel_loop3A_160 = vector.extract_strided_slice %parallel_loop3A_159 {offsets = [0], sizes = [1], strides = [1]} : vector<16xi32> to vector<1xi32>
        %parallel_loop3A_161 = vector.extract %parallel_loop3A_160[0] : i32 from vector<1xi32>
        %parallel_loop3A_162 = arith.constant 1 : i32
        %parallel_loop3A_163 = arith.andi %parallel_loop3A_161, %parallel_loop3A_162 : i32
        %parallel_loop3A_164 = arith.constant 64 : i32
        %parallel_loop3A_165 = arith.muli %parallel_loop3A_163, %parallel_loop3A_164 : i32
        %parallel_loop3A_166 = arith.constant 0 : i32
        %parallel_loop3A_167 = arith.addi %parallel_loop3A_165, %parallel_loop3A_166 : i32
        %parallel_loop3A_168 = arith.index_cast %parallel_loop3A_153 : i32 to index
        %parallel_loop3A_169 = arith.index_cast %parallel_loop3A_167 : i32 to index
        %parallel_loop3A_170 = tpu.vector_load %arg9[%parallel_loop3A_168, %parallel_loop3A_169] {strides = array<i32>} : memref<160x128xf32, #tpu.memory_space<vmem>>, vector<1x16xf32>,
        %parallel_loop3A_171 = vector.shape_cast %parallel_loop3A_170 : vector<1x16xf32> to vector<16xf32>
        %parallel_loop3A_172 = arith.constant 8.000000e+00 : f32
        %parallel_loop3A_173 = vector.broadcast %parallel_loop3A_172 : f32 to vector<16xf32>
        %parallel_loop3A_174 = arith.mulf %parallel_loop3A_171, %parallel_loop3A_173 : vector<16xf32>
        %parallel_loop3A_175 = arith.index_cast %parallel_loop3A_153 : i32 to index
        %parallel_loop3A_176 = arith.constant 0 : index
        %parallel_loop3A_177 = tpu.vector_load %arg11[%parallel_loop3A_175, %parallel_loop3A_176] {strides = array<i32>} : memref<160x64xf32, #tpu.memory_space<vmem>>, vector<1x16xf32>,
        %parallel_loop3A_178 = vector.shape_cast %parallel_loop3A_177 : vector<1x16xf32> to vector<16xf32>
        %parallel_loop3A_179 = vector.shape_cast %parallel_loop3A_174 : vector<16xf32> to vector<1x16xf32>
        tpu.vector_store %arg11[%parallel_loop3A_175, %parallel_loop3A_176], %parallel_loop3A_179 {strides = array<i32>} : memref<160x64xf32, #tpu.memory_space<vmem>>, vector<1x16xf32>,
        %parallel_loop3A_180 = arith.constant 16 : i32
        %parallel_loop3A_181 = arith.addi %parallel_loop3A_165, %parallel_loop3A_180 : i32
        %parallel_loop3A_182 = arith.index_cast %parallel_loop3A_153 : i32 to index
        %parallel_loop3A_183 = arith.index_cast %parallel_loop3A_181 : i32 to index
        %parallel_loop3A_184 = tpu.vector_load %arg9[%parallel_loop3A_182, %parallel_loop3A_183] {strides = array<i32>} : memref<160x128xf32, #tpu.memory_space<vmem>>, vector<1x16xf32>,
        %parallel_loop3A_185 = vector.shape_cast %parallel_loop3A_184 : vector<1x16xf32> to vector<16xf32>
        %parallel_loop3A_186 = arith.constant 8.000000e+00 : f32
        %parallel_loop3A_187 = vector.broadcast %parallel_loop3A_186 : f32 to vector<16xf32>
        %parallel_loop3A_188 = arith.mulf %parallel_loop3A_185, %parallel_loop3A_187 : vector<16xf32>
        %parallel_loop3A_189 = arith.index_cast %parallel_loop3A_153 : i32 to index
        %parallel_loop3A_190 = arith.constant 16 : index
        %parallel_loop3A_191 = tpu.vector_load %arg11[%parallel_loop3A_189, %parallel_loop3A_190] {strides = array<i32>} : memref<160x64xf32, #tpu.memory_space<vmem>>, vector<1x16xf32>,
        %parallel_loop3A_192 = vector.shape_cast %parallel_loop3A_191 : vector<1x16xf32> to vector<16xf32>
        %parallel_loop3A_193 = vector.shape_cast %parallel_loop3A_188 : vector<16xf32> to vector<1x16xf32>
        tpu.vector_store %arg11[%parallel_loop3A_189, %parallel_loop3A_190], %parallel_loop3A_193 {strides = array<i32>} : memref<160x64xf32, #tpu.memory_space<vmem>>, vector<1x16xf32>,
        %parallel_loop3A_194 = arith.constant 32 : i32
        %parallel_loop3A_195 = arith.addi %parallel_loop3A_165, %parallel_loop3A_194 : i32
        %parallel_loop3A_196 = arith.index_cast %parallel_loop3A_153 : i32 to index
        %parallel_loop3A_197 = arith.index_cast %parallel_loop3A_195 : i32 to index
        %parallel_loop3A_198 = tpu.vector_load %arg9[%parallel_loop3A_196, %parallel_loop3A_197] {strides = array<i32>} : memref<160x128xf32, #tpu.memory_space<vmem>>, vector<1x16xf32>,
        %parallel_loop3A_199 = vector.shape_cast %parallel_loop3A_198 : vector<1x16xf32> to vector<16xf32>
        %parallel_loop3A_200 = arith.constant 8.000000e+00 : f32
        %parallel_loop3A_201 = vector.broadcast %parallel_loop3A_200 : f32 to vector<16xf32>
        %parallel_loop3A_202 = arith.mulf %parallel_loop3A_199, %parallel_loop3A_201 : vector<16xf32>
        %parallel_loop3A_203 = arith.index_cast %parallel_loop3A_153 : i32 to index
        %parallel_loop3A_204 = arith.constant 32 : index
        %parallel_loop3A_205 = tpu.vector_load %arg11[%parallel_loop3A_203, %parallel_loop3A_204] {strides = array<i32>} : memref<160x64xf32, #tpu.memory_space<vmem>>, vector<1x16xf32>,
        %parallel_loop3A_206 = vector.shape_cast %parallel_loop3A_205 : vector<1x16xf32> to vector<16xf32>
        %parallel_loop3A_207 = vector.shape_cast %parallel_loop3A_202 : vector<16xf32> to vector<1x16xf32>
        tpu.vector_store %arg11[%parallel_loop3A_203, %parallel_loop3A_204], %parallel_loop3A_207 {strides = array<i32>} : memref<160x64xf32, #tpu.memory_space<vmem>>, vector<1x16xf32>,
        %parallel_loop3A_208 = arith.constant 48 : i32
        %parallel_loop3A_209 = arith.addi %parallel_loop3A_165, %parallel_loop3A_208 : i32
        %parallel_loop3A_210 = arith.index_cast %parallel_loop3A_153 : i32 to index
        %parallel_loop3A_211 = arith.index_cast %parallel_loop3A_209 : i32 to index
        %parallel_loop3A_212 = tpu.vector_load %arg9[%parallel_loop3A_210, %parallel_loop3A_211] {strides = array<i32>} : memref<160x128xf32, #tpu.memory_space<vmem>>, vector<1x16xf32>,
        %parallel_loop3A_213 = vector.shape_cast %parallel_loop3A_212 : vector<1x16xf32> to vector<16xf32>
        %parallel_loop3A_214 = arith.constant 8.000000e+00 : f32
        %parallel_loop3A_215 = vector.broadcast %parallel_loop3A_214 : f32 to vector<16xf32>
        %parallel_loop3A_216 = arith.mulf %parallel_loop3A_213, %parallel_loop3A_215 : vector<16xf32>
        %parallel_loop3A_217 = arith.index_cast %parallel_loop3A_153 : i32 to index
        %parallel_loop3A_218 = arith.constant 48 : index
        %parallel_loop3A_219 = tpu.vector_load %arg11[%parallel_loop3A_217, %parallel_loop3A_218] {strides = array<i32>} : memref<160x64xf32, #tpu.memory_space<vmem>>, vector<1x16xf32>,
        %parallel_loop3A_220 = vector.shape_cast %parallel_loop3A_219 : vector<1x16xf32> to vector<16xf32>
        %parallel_loop3A_221 = vector.shape_cast %parallel_loop3A_216 : vector<16xf32> to vector<1x16xf32>
        tpu.vector_store %arg11[%parallel_loop3A_217, %parallel_loop3A_218], %parallel_loop3A_221 {strides = array<i32>} : memref<160x64xf32, #tpu.memory_space<vmem>>, vector<1x16xf32>,
      } {sc.loop_unroll_factor = 8 : i64, sc.parallel_access}
      %add3A_139 = arith.constant 2 : i32
      %add3A_140 = arith.addi %add3A_127, %add3A_139 : i32
      %lt3A_141 = arith.constant 160 : i32
      %lt3A_142 = arith.cmpi slt, %add3A_140, %lt3A_141 : i32
      %convert_element_type3A_143 = arith.extui %lt3A_142 : i1 to i32
      %cond3A_144 = arith.constant 0 : i32
      %cond3A_145 = arith.cmpi ne, %convert_element_type3A_143, %cond3A_144 : i32
      scf.if %cond3A_145 {
        %add3A_153 = arith.constant 2 : i32
        %add3A_154 = arith.addi %add3A_127, %add3A_153 : i32
        %scan3A_155 = arith.constant 0 : i32
        %scan3A_156 = arith.constant 0 : i32
        %scan3A_157 = arith.constant 8 : i32
        %scan3A_158 = arith.addi %scan3A_156, %scan3A_157 : i32
        %scan3A_159 = arith.constant 4 : i32
        scf.for %scan3A_202 = %scan3A_156 to %scan3A_158 step %scan3A_159  : i32 {
          %mul3A_203 = arith.constant 160 : i32
          %mul3A_204 = arith.muli %add3A_154, %mul3A_203 : i32
          %mul3A_205 = arith.constant 16 : i32
          %mul3A_206 = arith.muli %scan3A_202, %mul3A_205 : i32
          %add3A_207 = arith.addi %mul3A_204, %mul3A_206 : i32
          %get3A_208 = arith.index_cast %add3A_207 : i32 to index
          %get3A_209 = tpu.vector_load %arg5[%get3A_208] {strides = array<i32>} : memref<25616xi32, #tpu.memory_space<vmem>>, vector<16xi32>,
          %get3A_210 = vector.shape_cast %get3A_209 : vector<16xi32> to vector<16xi32>
          %shift_right_logical3A_211 = arith.constant 1 : i32
          %shift_right_logical3A_212 = vector.broadcast %shift_right_logical3A_211 : i32 to vector<16xi32>
          %shift_right_logical3A_213 = arith.shrui %get3A_210, %shift_right_logical3A_212 : vector<16xi32>
          %mul3A_214 = arith.constant 16 : i32
          %mul3A_215 = arith.muli %scan3A_202, %mul3A_214 : i32
          %swap3A_216 = arith.index_cast %mul3A_215 : i32 to index
          %swap3A_217 = tpu.vector_load %arg7[%swap3A_216] {strides = array<i32>} : memref<160xi32, #tpu.memory_space<vmem>>, vector<16xi32>,
          %swap3A_218 = vector.shape_cast %swap3A_217 : vector<16xi32> to vector<16xi32>
          %swap3A_219 = vector.shape_cast %shift_right_logical3A_213 : vector<16xi32> to vector<16xi32>
          tpu.vector_store %arg7[%swap3A_216], %swap3A_219 {strides = array<i32>} : memref<160xi32, #tpu.memory_space<vmem>>, vector<16xi32>,
          %scan3A_220 = arith.constant 1 : i32
          %scan3A_221 = arith.addi %scan3A_202, %scan3A_220 : i32
          %mul3A_222 = arith.constant 160 : i32
          %mul3A_223 = arith.muli %add3A_154, %mul3A_222 : i32
          %mul3A_224 = arith.constant 16 : i32
          %mul3A_225 = arith.muli %scan3A_221, %mul3A_224 : i32
          %add3A_226 = arith.addi %mul3A_223, %mul3A_225 : i32
          %get3A_227 = arith.index_cast %add3A_226 : i32 to index
          %get3A_228 = tpu.vector_load %arg5[%get3A_227] {strides = array<i32>} : memref<25616xi32, #tpu.memory_space<vmem>>, vector<16xi32>,
          %get3A_229 = vector.shape_cast %get3A_228 : vector<16xi32> to vector<16xi32>
          %shift_right_logical3A_230 = arith.constant 1 : i32
          %shift_right_logical3A_231 = vector.broadcast %shift_right_logical3A_230 : i32 to vector<16xi32>
          %shift_right_logical3A_232 = arith.shrui %get3A_229, %shift_right_logical3A_231 : vector<16xi32>
          %mul3A_233 = arith.constant 16 : i32
          %mul3A_234 = arith.muli %scan3A_221, %mul3A_233 : i32
          %swap3A_235 = arith.index_cast %mul3A_234 : i32 to index
          %swap3A_236 = tpu.vector_load %arg7[%swap3A_235] {strides = array<i32>} : memref<160xi32, #tpu.memory_space<vmem>>, vector<16xi32>,
          %swap3A_237 = vector.shape_cast %swap3A_236 : vector<16xi32> to vector<16xi32>
          %swap3A_238 = vector.shape_cast %shift_right_logical3A_232 : vector<16xi32> to vector<16xi32>
          tpu.vector_store %arg7[%swap3A_235], %swap3A_238 {strides = array<i32>} : memref<160xi32, #tpu.memory_space<vmem>>, vector<16xi32>,
          %scan3A_239 = arith.constant 2 : i32
          %scan3A_240 = arith.addi %scan3A_202, %scan3A_239 : i32
          %mul3A_241 = arith.constant 160 : i32
          %mul3A_242 = arith.muli %add3A_154, %mul3A_241 : i32
          %mul3A_243 = arith.constant 16 : i32
          %mul3A_244 = arith.muli %scan3A_240, %mul3A_243 : i32
          %add3A_245 = arith.addi %mul3A_242, %mul3A_244 : i32
          %get3A_246 = arith.index_cast %add3A_245 : i32 to index
          %get3A_247 = tpu.vector_load %arg5[%get3A_246] {strides = array<i32>} : memref<25616xi32, #tpu.memory_space<vmem>>, vector<16xi32>,
          %get3A_248 = vector.shape_cast %get3A_247 : vector<16xi32> to vector<16xi32>
          %shift_right_logical3A_249 = arith.constant 1 : i32
          %shift_right_logical3A_250 = vector.broadcast %shift_right_logical3A_249 : i32 to vector<16xi32>
          %shift_right_logical3A_251 = arith.shrui %get3A_248, %shift_right_logical3A_250 : vector<16xi32>
          %mul3A_252 = arith.constant 16 : i32
          %mul3A_253 = arith.muli %scan3A_240, %mul3A_252 : i32
          %swap3A_254 = arith.index_cast %mul3A_253 : i32 to index
          %swap3A_255 = tpu.vector_load %arg7[%swap3A_254] {strides = array<i32>} : memref<160xi32, #tpu.memory_space<vmem>>, vector<16xi32>,
          %swap3A_256 = vector.shape_cast %swap3A_255 : vector<16xi32> to vector<16xi32>
          %swap3A_257 = vector.shape_cast %shift_right_logical3A_251 : vector<16xi32> to vector<16xi32>
          tpu.vector_store %arg7[%swap3A_254], %swap3A_257 {strides = array<i32>} : memref<160xi32, #tpu.memory_space<vmem>>, vector<16xi32>,
          %scan3A_258 = arith.constant 3 : i32
          %scan3A_259 = arith.addi %scan3A_202, %scan3A_258 : i32
          %mul3A_260 = arith.constant 160 : i32
          %mul3A_261 = arith.muli %add3A_154, %mul3A_260 : i32
          %mul3A_262 = arith.constant 16 : i32
          %mul3A_263 = arith.muli %scan3A_259, %mul3A_262 : i32
          %add3A_264 = arith.addi %mul3A_261, %mul3A_263 : i32
          %get3A_265 = arith.index_cast %add3A_264 : i32 to index
          %get3A_266 = tpu.vector_load %arg5[%get3A_265] {strides = array<i32>} : memref<25616xi32, #tpu.memory_space<vmem>>, vector<16xi32>,
          %get3A_267 = vector.shape_cast %get3A_266 : vector<16xi32> to vector<16xi32>
          %shift_right_logical3A_268 = arith.constant 1 : i32
          %shift_right_logical3A_269 = vector.broadcast %shift_right_logical3A_268 : i32 to vector<16xi32>
          %shift_right_logical3A_270 = arith.shrui %get3A_267, %shift_right_logical3A_269 : vector<16xi32>
          %mul3A_271 = arith.constant 16 : i32
          %mul3A_272 = arith.muli %scan3A_259, %mul3A_271 : i32
          %swap3A_273 = arith.index_cast %mul3A_272 : i32 to index
          %swap3A_274 = tpu.vector_load %arg7[%swap3A_273] {strides = array<i32>} : memref<160xi32, #tpu.memory_space<vmem>>, vector<16xi32>,
          %swap3A_275 = vector.shape_cast %swap3A_274 : vector<16xi32> to vector<16xi32>
          %swap3A_276 = vector.shape_cast %shift_right_logical3A_270 : vector<16xi32> to vector<16xi32>
          tpu.vector_store %arg7[%swap3A_273], %swap3A_276 {strides = array<i32>} : memref<160xi32, #tpu.memory_space<vmem>>, vector<16xi32>,
        }
        %scan3A_160 = arith.constant 8 : i32
        %scan3A_161 = arith.addi %scan3A_156, %scan3A_160 : i32
        %mul3A_162 = arith.constant 160 : i32
        %mul3A_163 = arith.muli %add3A_154, %mul3A_162 : i32
        %mul3A_164 = arith.constant 16 : i32
        %mul3A_165 = arith.muli %scan3A_161, %mul3A_164 : i32
        %add3A_166 = arith.addi %mul3A_163, %mul3A_165 : i32
        %get3A_167 = arith.index_cast %add3A_166 : i32 to index
        %get3A_168 = tpu.vector_load %arg5[%get3A_167] {strides = array<i32>} : memref<25616xi32, #tpu.memory_space<vmem>>, vector<16xi32>,
        %get3A_169 = vector.shape_cast %get3A_168 : vector<16xi32> to vector<16xi32>
        %shift_right_logical3A_170 = arith.constant 1 : i32
        %shift_right_logical3A_171 = vector.broadcast %shift_right_logical3A_170 : i32 to vector<16xi32>
        %shift_right_logical3A_172 = arith.shrui %get3A_169, %shift_right_logical3A_171 : vector<16xi32>
        %mul3A_173 = arith.constant 16 : i32
        %mul3A_174 = arith.muli %scan3A_161, %mul3A_173 : i32
        %swap3A_175 = arith.index_cast %mul3A_174 : i32 to index
        %swap3A_176 = tpu.vector_load %arg7[%swap3A_175] {strides = array<i32>} : memref<160xi32, #tpu.memory_space<vmem>>, vector<16xi32>,
        %swap3A_177 = vector.shape_cast %swap3A_176 : vector<16xi32> to vector<16xi32>
        %swap3A_178 = vector.shape_cast %shift_right_logical3A_172 : vector<16xi32> to vector<16xi32>
        tpu.vector_store %arg7[%swap3A_175], %swap3A_178 {strides = array<i32>} : memref<160xi32, #tpu.memory_space<vmem>>, vector<16xi32>,
        %scan3A_179 = arith.constant 9 : i32
        %scan3A_180 = arith.addi %scan3A_156, %scan3A_179 : i32
        %mul3A_181 = arith.constant 160 : i32
        %mul3A_182 = arith.muli %add3A_154, %mul3A_181 : i32
        %mul3A_183 = arith.constant 16 : i32
        %mul3A_184 = arith.muli %scan3A_180, %mul3A_183 : i32
        %add3A_185 = arith.addi %mul3A_182, %mul3A_184 : i32
        %get3A_186 = arith.index_cast %add3A_185 : i32 to index
        %get3A_187 = tpu.vector_load %arg5[%get3A_186] {strides = array<i32>} : memref<25616xi32, #tpu.memory_space<vmem>>, vector<16xi32>,
        %get3A_188 = vector.shape_cast %get3A_187 : vector<16xi32> to vector<16xi32>
        %shift_right_logical3A_189 = arith.constant 1 : i32
        %shift_right_logical3A_190 = vector.broadcast %shift_right_logical3A_189 : i32 to vector<16xi32>
        %shift_right_logical3A_191 = arith.shrui %get3A_188, %shift_right_logical3A_190 : vector<16xi32>
        %mul3A_192 = arith.constant 16 : i32
        %mul3A_193 = arith.muli %scan3A_180, %mul3A_192 : i32
        %swap3A_194 = arith.index_cast %mul3A_193 : i32 to index
        %swap3A_195 = tpu.vector_load %arg7[%swap3A_194] {strides = array<i32>} : memref<160xi32, #tpu.memory_space<vmem>>, vector<16xi32>,
        %swap3A_196 = vector.shape_cast %swap3A_195 : vector<16xi32> to vector<16xi32>
        %swap3A_197 = vector.shape_cast %shift_right_logical3A_191 : vector<16xi32> to vector<16xi32>
        tpu.vector_store %arg7[%swap3A_194], %swap3A_197 {strides = array<i32>} : memref<160xi32, #tpu.memory_space<vmem>>, vector<16xi32>,
        %scan3A_198 = arith.constant 10 : i32
        %dma_start3A_199 = arith.constant 0 : i32
        %dma_start3A_200 = arith.constant 0 : i32
        %dma_start3A_201 = tpu.memref_slice %arg3[%dma_start3A_199, %dma_start3A_200] : memref<500000x128xf32, #tpu.memory_space<hbm>> -> memref<500000x128xf32, #tpu.memory_space<hbm>>
        tpu.enqueue_indirect_dma source(%dma_start3A_201 : memref<500000x128xf32, #tpu.memory_space<hbm>>) target(%arg9 : memref<160x128xf32, #tpu.memory_space<vmem>>) offsets(%arg7 : memref<160xi32, #tpu.memory_space<vmem>>) semaphore(%arg12 : memref<!tpu.dma_semaphore, #tpu.memory_space<semaphore_mem>>)
      } else {
      }
      %mul3A_146 = arith.constant 160 : i32
      %mul3A_147 = arith.muli %add3A_127, %mul3A_146 : i32
      %add3A_148 = arith.addi %mul3A_2, %mul3A_147 : i32
      %dma_start3A_149 = arith.constant 0 : i32
      %dma_start3A_150 = tpu.memref_slice %arg4[%add3A_148, %dma_start3A_149] : memref<819200x64xf32, #tpu.memory_space<hbm>> -> memref<160x64xf32, #tpu.memory_space<hbm>>
      %dma_start3A_151 = arith.constant 0 : i32
      %dma_start3A_152 = tpu.memref_slice %arg4[%add3A_148, %dma_start3A_151] : memref<819200x64xf32, #tpu.memory_space<hbm>> -> memref<160x64xf32, #tpu.memory_space<hbm>>
      tpu.enqueue_dma source(%arg11 : memref<160x64xf32, #tpu.memory_space<vmem>>) target(%dma_start3A_152 : memref<160x64xf32, #tpu.memory_space<hbm>>) target_semaphore(%arg13 : memref<!tpu.dma_semaphore, #tpu.memory_space<semaphore_mem>>)
    }
    %scan3A_93 = arith.constant 80 : i32
    %dma_wait3A = arith.constant 0 : i32
    %dma_wait3A_94 = tpu.memref_slice %arg4[%mul3A_2, %dma_wait3A] : memref<819200x64xf32, #tpu.memory_space<hbm>> -> memref<160x64xf32, #tpu.memory_space<hbm>>
    %dma_wait3A_95 = arith.constant 0 : i32
    %dma_wait3A_96 = tpu.memref_slice %arg4[%mul3A_2, %dma_wait3A_95] : memref<819200x64xf32, #tpu.memory_space<hbm>> -> memref<160x64xf32, #tpu.memory_space<hbm>>
    tpu.wait_dma2 semaphore(%arg13 : memref<!tpu.dma_semaphore, #tpu.memory_space<semaphore_mem>>) src(%arg10 : memref<160x64xf32, #tpu.memory_space<vmem>>) dst(%dma_wait3A_96 : memref<160x64xf32, #tpu.memory_space<hbm>>)
    %dma_wait3A_97 = arith.constant 0 : i32
    %dma_wait3A_98 = tpu.memref_slice %arg4[%mul3A_2, %dma_wait3A_97] : memref<819200x64xf32, #tpu.memory_space<hbm>> -> memref<160x64xf32, #tpu.memory_space<hbm>>
    %dma_wait3A_99 = arith.constant 0 : i32
    %dma_wait3A_100 = tpu.memref_slice %arg4[%mul3A_2, %dma_wait3A_99] : memref<819200x64xf32, #tpu.memory_space<hbm>> -> memref<160x64xf32, #tpu.memory_space<hbm>>
    tpu.wait_dma2 semaphore(%arg13 : memref<!tpu.dma_semaphore, #tpu.memory_space<semaphore_mem>>) src(%arg11 : memref<160x64xf32, #tpu.memory_space<vmem>>) dst(%dma_wait3A_100 : memref<160x64xf32, #tpu.memory_space<hbm>>)
    return
  }
}

</mosaic_0001>

<sc_bundles>
// kernel: kernel.3.cloned.1.call-start
scs
__scs_entry_jumppad:
0x0: {  	(pc) =	sbr.rel $0x88, $3  }
0x1: {  	(tag) =	ssettag $0x0;
	lr =	simm.s32 $0x1  }
0x2: {  	[smem:$0x3F9F] =	sst lr;
	_ =	strace $0xD0000000  }
0x3: {  	_ = 	snop  }
0x4: {  	_ = 	snop  }
0x5: {  	_ = 	snop  }
0x6: {  	_ = 	snop  }
0x7: {  	_ = 	snop  }
__scs_overlays_trampoline_lowered:
0x8: {  	[smem:$0x3FAE] =	sst s0  }
0x9: {  	[smem:$0x3FAF] =	sst s1  }
0xa: {  	[smem:$0x3FB0] =	sst s2  }
0xb: {  	[smem:$0x3FB1] =	sst s3  }
0xc: {  	[smem:$0x3FB2] =	sst s4  }
0xd: {  	[smem:$0x3FB3] =	sst s5  }
0xe: {  	[smem:$0x3FB4] =	sst s6  }
0xf: {  	[smem:$0x3FB5] =	sst s7  }
0x10: {  	[smem:$0x3FB6] =	sst s8  }
0x11: {  	[smem:$0x3FB7] =	sst s9;
	s0 =	simm.s32 @!p0 $0x0  }
0x12: {  	s1 =	sld [smem:$0x3F9D];
	s0 =	simm.s32 @p0 $0x1  }
0x13: {  	[smem:$0x3FB8] =	sst s0;
	s0 =	simm.s32 @!p1 $0x0  }
0x14: {  	s2 =	sld [smem:$0x3F9C];
	s0 =	simm.s32 @p1 $0x1  }
0x15: {  	[smem:$0x3FB9] =	sst s0;
	s0 =	simm.s32 @!p2 $0x0  }
0x16: {  	s3 =	sld [smem:$0x3FDB];
	s0 =	simm.s32 @p2 $0x1  }
0x17: {  	s4 =	simm.s32 $0x1BF5;
	[smem:$0x3FBB] =	sst s0  }
0x18: {  	s0 =	sld [smem:$0x3F9E];
	_ =	swait.ge [sflag:s4], $0x0  }
0x19: {  	s7 =	sld [smem:$0x3F9F]  }
0x1a: {  	s8 =	sadd.s32 $0xFFFFE003, lr  }
0x1b: {  	s9 =	sadd.s32 $0xFFFFFEF7, lr;
	s5 =	simm.s32 $0xFFFFFFFF;
	p2 =	slt.u32 s8, $0xFFFFF086  }
0x1c: {  	p1 =	slt.u32 s9, $0xF7A;
	s5 =	simm.s32 @!p2 $0x0  }
0x1d: {  	s5 =	simm.s32 @p1 $0x1;
	p0 =	seq.s32 s7, s2  }
0x1e: {  	s7 =	smul.u32 @!p0 $0xF7A, s2;
	p2 =	seq.s32 @!p0 s5, $0x0  }
0x1f: {  	s9 =	smul.u32 $0xF7A, s1;
	s8 =	simm.s32 @!p0 $0x1BF5;
	p2 =	por !p2, p0  }
0x20: {  	[sflag:s8] =	ssyncset.s32 @!p0 $0xFFFFF086;
	s6 =	sadd.s32 @!p0 s3, s7;
	s7 =	simm.s32 @!p0 $0x108  }
0x21: {  	s3 =	sadd.s32 s3, s9;
	s6 =	sadd.s32 @!p0 $0x88, s6;
	s7 =	simm.s32 @p2 $0x1082  }
0x22: {  	[simem:s7], [sflag:s8] =	dma.local @!p0 [hbm:s6], $0xF7A  }
0x23: {  	s9 =	sor.u32 $0xD0000000, s2;
	s6 =	simm.s32 $0x108;
	_ =	swait.ge @!p0 [sflag:s8], $0x0  }
0x24: {  	s3 =	sadd.s32 $0x88, s3;
	s6 =	simm.s32 @!p1 $0x1082;
	[sflag:s4] =	ssyncset.s32 $0xFFFFF086  }
0x25: {  	[simem:s6], [sflag:s4] =	dma.local [hbm:s3], $0xF7A  }
0x26: {  	[smem:$0x3F9F] =	sst s1;
	(tag) =	ssettag s2;
	_ =	strace s9  }
0x27: {  	s1 =	sld [smem:$0x3FAF]  }
0x28: {  	s2 =	sld [smem:$0x3FB0]  }
0x29: {  	s4 =	sld [smem:$0x3FB2]  }
0x2a: {  	p0 =	seq.s32 s5, $0x0;
	s5 =	sld [smem:$0x3FB3]  }
0x2b: {  	s6 =	sld [smem:$0x3FB4]  }
0x2c: {  	s7 =	sld [smem:$0x3FB5]  }
0x2d: {  	s3 =	simm.s32 $0x108;
	s8 =	sld [smem:$0x3FB6]  }
0x2e: {  	s3 =	simm.s32 @!p0 $0x1082;
	s9 =	sld [smem:$0x3FB7]  }
0x2f: {  	lr =	sadd.s32 s0, s3;
	s0 =	sld [smem:$0x3FAE]  }
0x30: {  	s3 =	sld [smem:$0x3FB1]  }
0x31: {  	[smem:$0x3FBA] =	sst s10  }
0x32: {  	s10 =	sld [smem:$0x3FB8];
	_ =	sdelay $0x3  }
0x33: {  	p0 =	seq.s32 s10, $0x1;
	s10 =	sld [smem:$0x3FBA];
	_ =	sdelay $0x3  }
0x34: {  	[smem:$0x3FBA] =	sst s10  }
0x35: {  	s10 =	sld [smem:$0x3FB9];
	_ =	sdelay $0x3  }
0x36: {  	p1 =	seq.s32 s10, $0x1;
	s10 =	sld [smem:$0x3FBA];
	_ =	sdelay $0x3  }
0x37: {  	[smem:$0x3FBA] =	sst s10  }
0x38: {  	s10 =	sld [smem:$0x3FBB]  }
0x39: {  	_ = 	snop;
	(pc) =	sbr.ind lr, $3  }
0x3a: {  	_ = 	snop  }
0x3b: {  	_ = 	snop  }
0x3c: {  	p2 =	seq.s32 s10, $0x1;
	s10 =	sld [smem:$0x3FBA]  }
0x3d: {  	_ =	shalt  }
0x3e: {  	_ =	shalt  }
0x3f: {  	_ =	shalt  }
0x40: {  	_ =	shalt  }
0x41: {  	_ =	shalt  }
0x42: {  	_ =	shalt  }
0x43: {  	_ =	shalt  }
0x44: {  	_ =	shalt  }
0x45: {  	_ =	shalt  }
0x46: {  	_ =	shalt  }
0x47: {  	_ =	shalt  }
0x48: {  	_ =	shalt  }
0x49: {  	_ =	shalt  }
0x4a: {  	_ =	shalt  }
0x4b: {  	_ =	shalt  }
0x4c: {  	_ =	shalt  }
0x4d: {  	_ =	shalt  }
0x4e: {  	_ =	shalt  }
0x4f: {  	_ =	shalt  }
0x50: {  	_ =	shalt  }
0x51: {  	_ =	shalt  }
0x52: {  	_ =	shalt  }
0x53: {  	_ =	shalt  }
0x54: {  	_ =	shalt  }
0x55: {  	_ =	shalt  }
0x56: {  	_ =	shalt  }
0x57: {  	_ =	shalt  }
0x58: {  	_ =	shalt  }
0x59: {  	_ =	shalt  }
0x5a: {  	_ =	shalt  }
0x5b: {  	_ =	shalt  }
0x5c: {  	_ =	shalt  }
0x5d: {  	_ =	shalt  }
0x5e: {  	_ =	shalt  }
0x5f: {  	_ =	shalt  }
0x60: {  	_ =	shalt  }
0x61: {  	_ =	shalt  }
0x62: {  	_ =	shalt  }
0x63: {  	_ =	shalt  }
0x64: {  	_ =	shalt  }
0x65: {  	_ =	shalt  }
0x66: {  	_ =	shalt  }
0x67: {  	_ =	shalt  }
0x68: {  	_ =	shalt  }
0x69: {  	_ =	shalt  }
0x6a: {  	_ =	shalt  }
0x6b: {  	_ =	shalt  }
0x6c: {  	_ =	shalt  }
0x6d: {  	_ =	shalt  }
0x6e: {  	_ =	shalt  }
0x6f: {  	_ =	shalt  }
0x70: {  	_ =	shalt  }
0x71: {  	_ =	shalt  }
0x72: {  	_ =	shalt  }
0x73: {  	_ =	shalt  }
0x74: {  	_ =	shalt  }
0x75: {  	_ =	shalt  }
0x76: {  	_ =	shalt  }
0x77: {  	_ =	shalt  }
0x78: {  	_ =	shalt  }
0x79: {  	_ =	shalt  }
0x7a: {  	_ =	shalt  }
0x7b: {  	_ =	shalt  }
0x7c: {  	_ =	shalt  }
0x7d: {  	_ =	shalt  }
0x7e: {  	_ =	shalt  }
0x7f: {  	_ =	shalt  }
0x80: {  	_ =	shalt  }
0x81: {  	_ =	shalt  }
0x82: {  	_ =	shalt  }
0x83: {  	_ =	shalt  }
0x84: {  	_ =	shalt  }
0x85: {  	_ =	shalt  }
0x86: {  	_ =	shalt  }
0x87: {  	_ =	shalt  }
.Lfunc_end0:
.L_simem_size_0:
called_computation.1_lowered:
.L_overlay_start_0:
0x88: {  	s2 =	sld [smem:$0x3FD9]  }
0x89: {  	s3 =	sld [smem:$0x3FFE];
	_ =	sdelay $0x1  }
0x8a: {  	s1 =	srdreg.scid  }
0x8b: {  	s0 =	sand.u32 $0x1, s1  }
0x8c: {  	s17 =	sshll.u32 s0, $0xA;
	s2 =	sadd.s32 s3, s2  }
0x8d: {  	s2 =	sadd.s32 s2, s17  }
0x8e: {  	[smem:$0x3FC6] =	sst s2  }
0x8f: {  	_ = 	snop  }
0x90: {  	s2 =	sld [smem:$0x3FD0];
	(tm) =	ssettm $0x1  }
0x91: {  	s18 =	sld [smem:$0x3FFB];
	_ =	sdelay $0x3  }
0x92: {  	_ =	strace s18  }
0x93: {  	s3 =	sld [smem:$0x3FFC];
	_ =	sdelay $0x3  }
0x94: {  	_ =	strace s3  }
0x95: {  	s3 =	sld [smem:$0x3FFD];
	_ =	sdelay $0x3  }
0x96: {  	_ =	strace s3  }
0x97: {  	_ =	strace $0x8FFFFFFF  }
0x98: {  	s19 =	sld [smem:$0x3FDB];
	_ =	sdelay $0x1  }
0x99: {  	s4 =	simm.s32 $_scs_section_size  }
0x9a: {  	s5 =	simm.s32 $_size__tile_overlayer_lowered;
	s6 =	simm.s32 $_tile_overlayer_lowered  }
0x9b: {  	s22 =	simm.s32 $0x1BFF;
	s21 =	sshll.u32 s6, $0x1;
	s3 =	sadd.s32 s4, s19  }
0x9c: {  	s7 =	simm.s32 $0x0;
	s20 =	sshll.u32 s5, $0x1;
	s5 =	sadd.s32 s21, s3  }
0x9d: {  	[timem:s7], [sflag:s22] =	dma.local [hbm:s5], s20  }
0x9e: {  	_ =	swait.ge [sflag:s22], s20  }
0x9f: {  	s4 =	ssub.s32 $0x0, s20;
	[sflag:s22] =	ssyncset.done $0x0  }
0xa0: {  	[sflag:s22] =	ssyncadd.s32 s4;
	_ =	sdelay $0x1  }
0xa1: {  	s23 =	simm.s32 $0x1B8B  }
0xa2: {  	_ =	swait.ge [sflag:s23], $0x1  }
0xa3: {  	[sflag:s23] =	ssyncset.done $0x0  }
0xa4: {  	s25 =	simm.s32 $0x1B8E;
	s24 =	sld [smem:$0x3FFE];
	[sflag:s23] =	ssyncadd.s32 $0xFFFFFFFF  }
0xa5: {  	s26 =	simm.s32 $execute0_lowered;
	[smem:$0x3FD2] =	sst s25  }
0xa6: {  	s5 =	sshll.u32 s26, $0x1;
	_ =	strace $0x80000046;
	[dreg:$0x1] =	wrdreg $0xFFFFFFFF  }
0xa7: {  	s28 =	simm.s32 $_size_execute0_lowered;
	s3 =	sadd.s32 s3, s5;
	[dreg:$0x0] =	wrdreg $0x0  }
0xa8: {  	s5 =	sshll.u32 s28, $0x1;
	[dreg:$0x2] =	wrdreg s3  }
0xa9: {  	[dreg:$0x3] =	wrdreg s5  }
0xaa: {  	[dreg:$0x4] =	wrdreg $0xC0  }
0xab: {  	_ =	task [dreg:s7], $0x5FFFF  }
0xac: {  	[dreg:$0x1] =	wrdreg $0xFFFFFFFF  }
0xad: {  	[dreg:$0x0] =	wrdreg $0x60  }
0xae: {  	[dreg:$0x2] =	wrdreg s2  }
0xaf: {  	[dreg:$0x3] =	wrdreg s24  }
0xb0: {  	[dreg:$0x4] =	wrdreg $0x9  }
0xb1: {  	_ =	task.clear_ibuf [dreg:s7], $0x5FFFF;
	_ =	strace $0x90000046  }
0xb2: {  	s29 =	simm.s32 $0x9;
	_ =	strace $0x80000048  }
0xb3: {  	_ =	swait.ge [sflag:s29], $0x1  }
0xb4: {  	[sflag:s29] =	ssyncadd.s32 $0xFFFFFFFF  }
0xb5: {  	_ =	strace $0x90000048  }
0xb6: {  	_ =	sfence  }
0xb7: {  	s30 =	sld [smem:$0x0];
	_ =	sdelay $0x2  }
0xb8: {  	s31 =	sshll.u32 s1, $0xD;
	s1 =	sshrl.u32 s1, $0x2  }
0xb9: {  	s3 =	sand.u32 $0x4000, s31;
	s1 =	sadd.s32 s1, s30  }
0xba: {  	s0 =	sor.u32 s3, s0;
	s1 =	sshll.u32 s1, $0x11  }
0xbb: {  	s0 =	sor.u32 s1, s0  }
0xbc: {  	s0 =	sadd.s32 $0x8F2B, s0  }
0xbd: {  	[sflag:s0] =	ssyncadd.remote.s32 $0x1  }
0xbe: {  	_ =	sfence.sel $0xFFFF  }
0xbf: {  	[dreg:$0x0] =	wrdreg $0xFFFFFFFF;
	(pc) =	sbr.abs _section_cstart, $3  }
0xc0: {  	[dreg:$0x1] =	wrdreg $0xFFFFFFFF  }
0xc1: {  	_ =	task.clear_ibuf [dreg:s7], $0x2FFFF;
	_ =	strace $0x9FFFFFFF  }
0xc2: {  	(tm) =	ssettm $0x7FFFFFFF  }
0xc3: {  	_ =	shalt  }
tec
execute0_lowered:
.L_overlay_start_1:
0x0: {  	(tag) =	ssettag $0x1  }
0x1: {  	s0 =	rddreg [dreg:$0x0];
	s1 =	srdreg.scid  }
0x2: {  	s2 =	stileid.u32;
	s5 =	rddreg [dreg:$0x1]  }
0x3: {  	s14 =	simm.s32 $0x1;
	s1 =	sand.u32 $0x1, s1;
	s3 =	sshll.u32 s2, $0x1  }
0x4: {  	s15 =	simm.s32 $0x10680;
	s3 =	sor.u32 s1, s3;
	s1 =	ssub.s32 $0x2, s1  }
0x5: {  	s16 =	simm.s32 $0x15680;
	s3 =	smul.u32 $0x6400, s3;
	s6 =	sshrl.u32 s1, $0x1  }
0x6: {  	s2 =	simm.s32 $0x0;
	s4 =	sadd.s32 $0xF42E00, s5;
	s1 =	ssub.s32 s1, s6  }
0x7: {  	[smem:$0x7FF] =	sst s2;
	s7 =	sshrl.u32 s3, $0x3;
	s31 =	smax.u32 s1, $0x1  }
0x8: {  	_ =	strace $0x80000047;
	s0 =	sadd.s32 s0, s7;
	[dreg:$0x4] =	wrdreg s31  }
0x9: {  	s5 =	sadd.s32 $0xA00, s5;
	s6 =	simm.s32 $0x0;
	[dreg:$0x3] =	wrdreg s0  }
.LBB2_1:
0xa: {  	[dreg:$0x5] =	wrdreg s6  }
0xb: {  	s0 =	rddreg [dreg:$0x3];
	s26 =	simm.s32 $0x3  }
0xc: {  	[tilespmem:s2], [sflag:$0x3] =	stream.linear.gather [hbm4b:s0+s2], $0x6400, $0x38;
	[tilespmem:$0x1A680] =	vst v63  }
0xd: {  	_ =	swait.ge [sflag:s26], $0x6400  }
0xe: {  	[sflag:s26] =	ssyncset.done $0x0  }
0xf: {  	[sflag:s26] =	ssyncadd.s32 $0xFFFF9C00  }
0x10: {  	v0 =	vld [tilespmem:$0x0]  }
0x11: {  	v1 =	vld [tilespmem:$0x10]  }
0x12: {  	v2 =	vld [tilespmem:$0x20]  }
0x13: {  	v3 =	vld [tilespmem:$0x30]  }
0x14: {  	v4 =	vld [tilespmem:$0x40]  }
0x15: {  	v5 =	vld [tilespmem:$0x50];
	v0 =	vshrl.u32 v0, $0x1  }
0x16: {  	v33 =	vld [tilespmem:$0x60];
	v32 =	vshrl.u32 v1, $0x1;
	[tilespmem:$0x6480] =	vst v0  }
0x17: {  	v35 =	vld [tilespmem:$0x70];
	v34 =	vshrl.u32 v2, $0x1;
	[tilespmem:$0x6490] =	vst v32  }
0x18: {  	v37 =	vld [tilespmem:$0x80];
	v36 =	vshrl.u32 v3, $0x1;
	[tilespmem:$0x64A0] =	vst v34  }
0x19: {  	v39 =	vld [tilespmem:$0x90];
	v38 =	vshrl.u32 v4, $0x1;
	[tilespmem:$0x64B0] =	vst v36  }
0x1a: {  	v40 =	vshrl.u32 v5, $0x1;
	[tilespmem:$0x64C0] =	vst v38  }
0x1b: {  	v41 =	vshrl.u32 v33, $0x1;
	[tilespmem:$0x64D0] =	vst v40  }
0x1c: {  	v42 =	vshrl.u32 v35, $0x1;
	[tilespmem:$0x64E0] =	vst v41  }
0x1d: {  	v43 =	vshrl.u32 v37, $0x1;
	[tilespmem:$0x64F0] =	vst v42  }
0x1e: {  	v44 =	vshrl.u32 v39, $0x1;
	[tilespmem:$0x6500] =	vst v43  }
0x1f: {  	s28 =	simm.s32 $0xA0;
	s1 =	simm.s32 $0x6480;
	s29 =	simm.s32 $0x6680;
	[tilespmem:$0x6510] =	vst v44  }
0x20: {  	[tilespmem:s29], [sflag:$0x1] =	stream.indirect.gather [hbm4b:s4+s28], $0x80, s1, s28, $0xb8;
	[tilespmem:$0x1A680] =	vst v63  }
0x21: {  	v45 =	vld [tilespmem:$0xA0]  }
0x22: {  	v46 =	vld [tilespmem:$0xB0]  }
0x23: {  	v47 =	vld [tilespmem:$0xC0]  }
0x24: {  	v48 =	vld [tilespmem:$0xD0]  }
0x25: {  	v49 =	vld [tilespmem:$0xE0]  }
0x26: {  	v50 =	vld [tilespmem:$0xF0];
	v0 =	vshrl.u32 v45, $0x1  }
0x27: {  	v52 =	vld [tilespmem:$0x100];
	v51 =	vshrl.u32 v46, $0x1;
	[tilespmem:$0x6580] =	vst v0  }
0x28: {  	v54 =	vld [tilespmem:$0x110];
	v53 =	vshrl.u32 v47, $0x1;
	[tilespmem:$0x6590] =	vst v51  }
0x29: {  	v56 =	vld [tilespmem:$0x120];
	v55 =	vshrl.u32 v48, $0x1;
	[tilespmem:$0x65A0] =	vst v53  }
0x2a: {  	v58 =	vld [tilespmem:$0x130];
	v57 =	vshrl.u32 v49, $0x1;
	[tilespmem:$0x65B0] =	vst v55  }
0x2b: {  	v59 =	vshrl.u32 v50, $0x1;
	[tilespmem:$0x65C0] =	vst v57  }
0x2c: {  	v60 =	vshrl.u32 v52, $0x1;
	[tilespmem:$0x65D0] =	vst v59  }
0x2d: {  	v61 =	vshrl.u32 v54, $0x1;
	[tilespmem:$0x65E0] =	vst v60  }
0x2e: {  	v62 =	vshrl.u32 v56, $0x1;
	[tilespmem:$0x65F0] =	vst v61  }
0x2f: {  	s30 =	simm.s32 $0x6580;
	s31 =	simm.s32 $0xB680;
	v63 =	vshrl.u32 v58, $0x1;
	[tilespmem:$0x6600] =	vst v62  }
0x30: {  	s19 =	simm.s32 $0x4;
	s20 =	simm.s32 $0xA7;
	s21 =	simm.s32 $0x0;
	[tilespmem:$0x6610] =	vst v63  }
0x31: {  	[tilespmem:s31], [sflag:$0x1] =	stream.indirect.gather [hbm4b:s4+s28], $0x80, s30, s28, $0xb8;
	[tilespmem:$0x1A680] =	vst v63  }
.LBB2_2:
0x32: {  	_ =	swait.ge [sflag:s14], $0x5000  }
0x33: {  	p1 =	seq.s32 s21, $0x0;
	[sflag:s14] =	ssyncset.done $0x0  }
0x34: {  	s0 =	simm.s32 @!p1 $0x2;
	[sflag:s14] =	ssyncadd.s32 $0xFFFFB000  }
0x35: {  	_ =	swait.ge @!p1 [sflag:s0], $0x5000  }
0x36: {  	[sflag:s0] =	ssyncset.done @!p1 $0x0  }
0x37: {  	[sflag:s0] =	ssyncadd.s32 @!p1 $0xFFFFB000  }
0x38: {  	v0 =	vld [tilespmem:s19+$0x3];
	_ =	sdelay $0x1  }
0x39: {  	v1 =	vld [tilespmem:s19+$0xFFFFFFFD]  }
0x3a: {  	v2 =	vld [tilespmem:s19+$0xFFFFFFFE]  }
0x3b: {  	v3 =	vld [tilespmem:s19+$0xFFFFFFFF]  }
0x3c: {  	v4 =	vld [tilespmem:s19+$0x0];
	(v2sf) =	vpush v0, $0x0  }
0x3d: {  	v5 =	vld [tilespmem:s19+$0x1]  }
0x3e: {  	v0 =	vld [tilespmem:s19+$0x2];
	(v2sf) =	vpush v1, $0x0  }
0x3f: {  	(v2sf) =	vpush v2, $0x0  }
0x40: {  	(v2sf) =	vpush v3, $0x0  }
0x41: {  	(v2sf) =	vpush v4, $0x0  }
0x42: {  	(v2sf) =	vpush v5, $0x0  }
0x43: {  	(v2sf) =	vpush v0, $0x0  }
0x44: {  	v1 =	vld [tilespmem:s19+$0xFFFFFFFC];
	_ =	sdelay $0x4  }
0x45: {  	(v2sf) =	vpush v1, $0x0;
	_ =	sdelay $0x1  }
0x46: {  	s26 =	spop (v2sf)  }
0x47: {  	s0 =	sand.u32 $0x1, s26  }
0x48: {  	s1 =	spop (v2sf);
	s0 =	sshll.u32 s0, $0x6  }
0x49: {  	s6 =	spop (v2sf);
	s1 =	sand.u32 $0x1, s1;
	s0 =	sadd.s32 $0x0, s0  }
0x4a: {  	s9 =	spop (v2sf);
	s1 =	sshll.u32 s1, $0x6;
	s6 =	sand.u32 $0x1, s6  }
0x4b: {  	s10 =	spop (v2sf);
	s1 =	sadd.s32 $0x0, s1;
	s9 =	sand.u32 $0x1, s9  }
0x4c: {  	v0 =	vld [tilespmem:s0+$0x6A00];
	s6 =	sshll.u32 s6, $0x6;
	s11 =	spop (v2sf);
	s10 =	sand.u32 $0x1, s10  }
0x4d: {  	v1 =	vld [tilespmem:s1+$0x6700];
	s9 =	sshll.u32 s9, $0x6;
	s22 =	sadd.s32 $0x0, s6;
	s23 =	spop (v2sf)  }
0x4e: {  	s7 =	sand.u32 $0x1, s11;
	s10 =	sshll.u32 s10, $0x6;
	s11 =	sadd.s32 $0x0, s9;
	v3 =	vld [tilespmem:s22+$0x6780]  }
0x4f: {  	s8 =	sand.u32 $0x1, s23;
	s6 =	sshll.u32 s7, $0x6;
	s10 =	sadd.s32 $0x0, s10;
	v4 =	vld [tilespmem:s11+$0x6800]  }
0x50: {  	s9 =	sshll.u32 s8, $0x6;
	s25 =	sadd.s32 $0x0, s6;
	v5 =	vld [tilespmem:s10+$0x6880]  }
0x51: {  	s23 =	sadd.s32 $0x0, s9;
	v6 =	vld [tilespmem:s25+$0x6900];
	s9 =	sadd.s32 $0x8, s19  }
0x52: {  	v8 =	vld [tilespmem:s9+$0x3]  }
0x53: {  	s12 =	spop (v2sf);
	v0 =	vmul.f32 $8.000000000e+00, v0;
	v9 =	vld [tilespmem:s9+$0xFFFFFFFD]  }
0x54: {  	s24 =	simm.s32 $0x0;
	s12 =	sand.u32 $0x1, s12;
	v10 =	vld [tilespmem:s9+$0xFFFFFFFE]  }
0x55: {  	s13 =	sshll.u32 s12, $0x6;
	v11 =	vld [tilespmem:s9+$0xFFFFFFFF];
	[tilespmem:s24+$0x10A00] =	vst v0  }
0x56: {  	s13 =	sadd.s32 $0x0, s13;
	v0 =	vld [tilespmem:s0+$0x6A10]  }
0x57: {  	v2 =	vld [tilespmem:s13+$0x6680]  }
0x58: {  	v1 =	vmul.f32 $8.000000000e+00, v1;
	v12 =	vld [tilespmem:s9+$0x0]  }
0x59: {  	v63 =	vld [tilespmem:s9+$0x2]  }
0x5a: {  	[tilespmem:s24+$0x10700] =	vst v1;
	v1 =	vld [tilespmem:s23+$0x6980]  }
0x5b: {  	(v2sf) =	vpush v8, $0x0;
	v8 =	vld [tilespmem:s9+$0x1];
	v0 =	vmul.f32 $8.000000000e+00, v0  }
0x5c: {  	v7 =	vld [tilespmem:s1+$0x6710];
	v2 =	vmul.f32 $8.000000000e+00, v2;
	(v2sf) =	vpush v9, $0x0  }
0x5d: {  	(v2sf) =	vpush v10, $0x0;
	[tilespmem:s24+$0x10A10] =	vst v0;
	v0 =	vmul.f32 $8.000000000e+00, v3;
	v3 =	vld [tilespmem:s9+$0xFFFFFFFC]  }
0x5e: {  	[tilespmem:s24+$0x10680] =	vst v2;
	v2 =	vmul.f32 $8.000000000e+00, v4;
	(v2sf) =	vpush v11, $0x0;
	v4 =	vld [tilespmem:s0+$0x6A20]  }
0x5f: {  	(v2sf) =	vpush v12, $0x0;
	[tilespmem:s24+$0x10780] =	vst v0;
	v0 =	vmul.f32 $8.000000000e+00, v5;
	v5 =	vld [tilespmem:s13+$0x6690]  }
0x60: {  	[tilespmem:s24+$0x10800] =	vst v2;
	v2 =	vmul.f32 $8.000000000e+00, v6;
	(v2sf) =	vpush v8, $0x0;
	v6 =	vld [tilespmem:s22+$0x6790]  }
0x61: {  	(v2sf) =	vpush v63, $0x0;
	[tilespmem:s24+$0x10880] =	vst v0;
	v0 =	vmul.f32 $8.000000000e+00, v1;
	v1 =	vld [tilespmem:s11+$0x6810]  }
0x62: {  	v7 =	vmul.f32 $8.000000000e+00, v7;
	[tilespmem:s24+$0x10900] =	vst v2;
	(v2sf) =	vpush v3, $0x0;
	v2 =	vld [tilespmem:s10+$0x6890]  }
0x63: {  	v3 =	vld [tilespmem:s25+$0x6910];
	[tilespmem:s24+$0x10980] =	vst v0;
	v0 =	vmul.f32 $8.000000000e+00, v4  }
0x64: {  	[tilespmem:s24+$0x10710] =	vst v7;
	v4 =	vmul.f32 $8.000000000e+00, v5;
	v5 =	vld [tilespmem:s23+$0x6990]  }
0x65: {  	[tilespmem:s24+$0x10A20] =	vst v0;
	v0 =	vld [tilespmem:s1+$0x6720];
	v6 =	vmul.f32 $8.000000000e+00, v6  }
0x66: {  	v7 =	vld [tilespmem:s0+$0x6A30];
	[tilespmem:s24+$0x10690] =	vst v4;
	v1 =	vmul.f32 $8.000000000e+00, v1  }
0x67: {  	v4 =	vld [tilespmem:s13+$0x66A0];
	[tilespmem:s24+$0x10790] =	vst v6;
	v2 =	vmul.f32 $8.000000000e+00, v2  }
0x68: {  	v6 =	vld [tilespmem:s22+$0x67A0];
	[tilespmem:s24+$0x10810] =	vst v1;
	v1 =	vmul.f32 $8.000000000e+00, v3  }
0x69: {  	v3 =	vld [tilespmem:s11+$0x6820];
	[tilespmem:s24+$0x10890] =	vst v2;
	v2 =	vmul.f32 $8.000000000e+00, v5  }
0x6a: {  	s8 =	spop (v2sf);
	v0 =	vmul.f32 $8.000000000e+00, v0;
	v5 =	vld [tilespmem:s10+$0x68A0];
	[tilespmem:s24+$0x10910] =	vst v1  }
0x6b: {  	s0 =	sand.u32 $0x1, s8;
	s17 =	spop (v2sf);
	v1 =	vmul.f32 $8.000000000e+00, v7;
	v7 =	vld [tilespmem:s25+$0x6920];
	[tilespmem:s24+$0x10990] =	vst v2  }
0x6c: {  	s0 =	sshll.u32 s0, $0x6;
	s26 =	spop (v2sf);
	v2 =	vmul.f32 $8.000000000e+00, v4;
	[tilespmem:s24+$0x10720] =	vst v0;
	v0 =	vld [tilespmem:s23+$0x69A0]  }
0x6d: {  	s0 =	sadd.s32 $0x400, s0;
	s28 =	spop (v2sf);
	[tilespmem:s24+$0x10A30] =	vst v1;
	v1 =	vld [tilespmem:s1+$0x6730];
	v4 =	vmul.f32 $8.000000000e+00, v6  }
0x6e: {  	s18 =	spop (v2sf);
	v6 =	vld [tilespmem:s0+$0x6A00];
	[tilespmem:s24+$0x106A0] =	vst v2;
	v2 =	vmul.f32 $8.000000000e+00, v3  }
0x6f: {  	s30 =	spop (v2sf);
	v3 =	vld [tilespmem:s13+$0x66B0];
	[tilespmem:s24+$0x107A0] =	vst v4;
	v4 =	vmul.f32 $8.000000000e+00, v5  }
0x70: {  	s7 =	spop (v2sf);
	v5 =	vld [tilespmem:s22+$0x67B0];
	[tilespmem:s24+$0x10820] =	vst v2;
	v2 =	vmul.f32 $8.000000000e+00, v7  }
0x71: {  	s6 =	sand.u32 $0x1, s17;
	s8 =	spop (v2sf);
	v7 =	vld [tilespmem:s11+$0x6830];
	[tilespmem:s24+$0x108A0] =	vst v4;
	v0 =	vmul.f32 $8.000000000e+00, v0  }
0x72: {  	s1 =	sshll.u32 s6, $0x6;
	s6 =	sand.u32 $0x1, s8;
	v1 =	vmul.f32 $8.000000000e+00, v1;
	v4 =	vld [tilespmem:s10+$0x68B0];
	[tilespmem:s24+$0x10920] =	vst v2  }
0x73: {  	s1 =	sadd.s32 $0x400, s1;
	v2 =	vmul.f32 $8.000000000e+00, v6;
	s6 =	sshll.u32 s6, $0x6;
	v6 =	vld [tilespmem:s25+$0x6930];
	[tilespmem:s24+$0x109A0] =	vst v0  }
0x74: {  	v8 =	vld [tilespmem:s1+$0x6700];
	s11 =	sand.u32 $0x1, s26;
	s25 =	simm.s32 $0x400;
	s29 =	sadd.s32 $0x400, s6;
	v0 =	vmul.f32 $8.000000000e+00, v3;
	[tilespmem:s24+$0x10730] =	vst v1  }
0x75: {  	s13 =	sand.u32 $0x1, s28;
	s10 =	sshll.u32 s11, $0x6;
	[tilespmem:s25+$0x10A00] =	vst v2;
	v1 =	vld [tilespmem:s29+$0x6680];
	v2 =	vmul.f32 $8.000000000e+00, v5  }
0x76: {  	s17 =	sand.u32 $0x1, s18;
	s31 =	sadd.s32 $0x400, s10;
	s6 =	sshll.u32 s13, $0x6;
	v5 =	vld [tilespmem:s0+$0x6A10];
	[tilespmem:s24+$0x106B0] =	vst v0;
	v3 =	vmul.f32 $8.000000000e+00, v7  }
0x77: {  	s18 =	sand.u32 $0x1, s30;
	s11 =	sshll.u32 s17, $0x6;
	s30 =	sadd.s32 $0x400, s6;
	v7 =	vld [tilespmem:s31+$0x6780];
	[tilespmem:s24+$0x107B0] =	vst v2;
	v4 =	vmul.f32 $8.000000000e+00, v4  }
0x78: {  	s22 =	sand.u32 $0x1, s7;
	s26 =	sshll.u32 s18, $0x6;
	s28 =	sadd.s32 $0x400, s11;
	v0 =	vld [tilespmem:s30+$0x6800];
	[tilespmem:s24+$0x10830] =	vst v3;
	v3 =	vmul.f32 $8.000000000e+00, v6  }
0x79: {  	s26 =	sadd.s32 $0x400, s26;
	s6 =	sshll.u32 s22, $0x6;
	v2 =	vld [tilespmem:s28+$0x6880];
	v6 =	vmul.f32 $8.000000000e+00, v8;
	[tilespmem:s24+$0x108B0] =	vst v4  }
0x7a: {  	s13 =	sadd.s32 $0x400, s6;
	v4 =	vmul.f32 $8.000000000e+00, v1;
	v1 =	vld [tilespmem:s26+$0x6900];
	[tilespmem:s24+$0x10930] =	vst v3  }
0x7b: {  	s12 =	sadd.s32 $0x8, s9;
	[tilespmem:s25+$0x10700] =	vst v6;
	v3 =	vld [tilespmem:s13+$0x6980];
	v5 =	vmul.f32 $8.000000000e+00, v5  }
0x7c: {  	s10 =	simm.s32 $0x8;
	s11 =	simm.s32 $0x1000;
	s22 =	sshll.u32 s21, $0x1;
	v6 =	vmul.f32 $8.000000000e+00, v7;
	[tilespmem:s25+$0x10680] =	vst v4;
	v4 =	vld [tilespmem:s1+$0x6710]  }
.LBB2_3:
0x7d: {  	v7 =	vld [tilespmem:s12+$0x3];
	v0 =	vmul.f32 $8.000000000e+00, v0;
	[tilespmem:s25+$0x10A10] =	vst v5  }
0x7e: {  	s10 =	sadd.s32 $0x8, s10;
	[tilespmem:s25+$0x10780] =	vst v6;
	v2 =	vmul.f32 $8.000000000e+00, v2;
	v5 =	vld [tilespmem:s0+$0x6A20]  }
0x7f: {  	p0 =	slt.u32 s10, $0x98;
	v6 =	vld [tilespmem:s12+$0xFFFFFFFD];
	[tilespmem:s25+$0x10800] =	vst v0;
	v0 =	vmul.f32 $8.000000000e+00, v1  }
0x80: {  	v1 =	vld [tilespmem:s12+$0xFFFFFFFE];
	[tilespmem:s25+$0x10880] =	vst v2;
	v2 =	vmul.f32 $8.000000000e+00, v3  }
0x81: {  	v3 =	vld [tilespmem:s12+$0xFFFFFFFF];
	v4 =	vmul.f32 $8.000000000e+00, v4;
	[tilespmem:s25+$0x10900] =	vst v0  }
0x82: {  	v0 =	vld [tilespmem:s12+$0x0];
	[tilespmem:s25+$0x10980] =	vst v2  }
0x83: {  	v2 =	vld [tilespmem:s12+$0x1];
	(v2sf) =	vpush v7, $0x0;
	[tilespmem:s25+$0x10710] =	vst v4;
	v4 =	vmul.f32 $8.000000000e+00, v5  }
0x84: {  	v5 =	vld [tilespmem:s12+$0x2];
	(v2sf) =	vpush v6, $0x0  }
0x85: {  	v6 =	vld [tilespmem:s12+$0xFFFFFFFC];
	(v2sf) =	vpush v1, $0x0;
	[tilespmem:s25+$0x10A20] =	vst v4  }
0x86: {  	(v2sf) =	vpush v3, $0x0;
	v1 =	vld [tilespmem:s0+$0x6A30]  }
0x87: {  	(v2sf) =	vpush v0, $0x0;
	v0 =	vld [tilespmem:s29+$0x6690]  }
0x88: {  	(v2sf) =	vpush v2, $0x0;
	v2 =	vld [tilespmem:s31+$0x6790]  }
0x89: {  	(v2sf) =	vpush v5, $0x0;
	v3 =	vld [tilespmem:s30+$0x6810]  }
0x8a: {  	(v2sf) =	vpush v6, $0x0;
	v4 =	vld [tilespmem:s28+$0x6890]  }
0x8b: {  	v5 =	vld [tilespmem:s26+$0x6910];
	v1 =	vmul.f32 $8.000000000e+00, v1  }
0x8c: {  	v0 =	vmul.f32 $8.000000000e+00, v0;
	v6 =	vld [tilespmem:s13+$0x6990]  }
0x8d: {  	v7 =	vld [tilespmem:s1+$0x6720];
	v2 =	vmul.f32 $8.000000000e+00, v2;
	[tilespmem:s25+$0x10A30] =	vst v1  }
0x8e: {  	[tilespmem:s25+$0x10690] =	vst v0;
	v0 =	vmul.f32 $8.000000000e+00, v3;
	v1 =	vld [tilespmem:s23+$0x69B0];
	s23 =	smov.u32 s13  }
0x8f: {  	v3 =	vld [tilespmem:s29+$0x66A0];
	[tilespmem:s25+$0x10790] =	vst v2;
	v2 =	vmul.f32 $8.000000000e+00, v4  }
0x90: {  	v4 =	vld [tilespmem:s31+$0x67A0];
	[tilespmem:s25+$0x10810] =	vst v0;
	v0 =	vmul.f32 $8.000000000e+00, v5  }
0x91: {  	v5 =	vld [tilespmem:s30+$0x6820];
	[tilespmem:s25+$0x10890] =	vst v2;
	v2 =	vmul.f32 $8.000000000e+00, v6  }
0x92: {  	s0 =	spop (v2sf);
	v6 =	vmul.f32 $8.000000000e+00, v7;
	v7 =	vld [tilespmem:s28+$0x68A0];
	[tilespmem:s25+$0x10910] =	vst v0  }
0x93: {  	s11 =	sadd.s32 $0x1000, s11;
	s0 =	sand.u32 $0x1, s0;
	s6 =	spop (v2sf);
	v0 =	vld [tilespmem:s26+$0x6920];
	[tilespmem:s25+$0x10990] =	vst v2;
	v1 =	vmul.f32 $8.000000000e+00, v1  }
0x94: {  	s9 =	sshra.s32 s11, $0x2;
	s0 =	sshll.u32 s0, $0x6;
	s7 =	spop (v2sf);
	v2 =	vmul.f32 $8.000000000e+00, v3;
	[tilespmem:s25+$0x10720] =	vst v6;
	v3 =	vld [tilespmem:s23+$0x69A0]  }
0x95: {  	s6 =	sand.u32 $0x1, s6;
	s0 =	sadd.s32 s9, s0;
	s13 =	spop (v2sf);
	v6 =	vld [tilespmem:s1+$0x6730];
	v4 =	vmul.f32 $8.000000000e+00, v4;
	[tilespmem:s24+$0x109B0] =	vst v1  }
0x96: {  	s1 =	sand.u32 $0x1, s7;
	s7 =	sand.u32 $0x1, s13;
	v1 =	vld [tilespmem:s0+$0x6A00];
	s13 =	spop (v2sf);
	[tilespmem:s25+$0x106A0] =	vst v2;
	v2 =	vmul.f32 $8.000000000e+00, v5  }
0x97: {  	s6 =	sshll.u32 s6, $0x6;
	s13 =	sand.u32 $0x1, s13;
	s24 =	spop (v2sf);
	v5 =	vld [tilespmem:s29+$0x66B0];
	[tilespmem:s25+$0x107A0] =	vst v4;
	v4 =	vmul.f32 $8.000000000e+00, v7  }
0x98: {  	s8 =	sshll.u32 s1, $0x6;
	s1 =	sand.u32 $0x1, s24;
	s24 =	spop (v2sf);
	v7 =	vld [tilespmem:s31+$0x67B0];
	[tilespmem:s25+$0x10820] =	vst v2;
	v0 =	vmul.f32 $8.000000000e+00, v0  }
0x99: {  	s7 =	sshll.u32 s7, $0x6;
	s24 =	sand.u32 $0x1, s24;
	s29 =	spop (v2sf);
	v2 =	vld [tilespmem:s30+$0x6830];
	[tilespmem:s25+$0x108A0] =	vst v4;
	v3 =	vmul.f32 $8.000000000e+00, v3  }
0x9a: {  	s13 =	sshll.u32 s13, $0x6;
	s17 =	sshll.u32 s1, $0x6;
	s29 =	sand.u32 $0x1, s29;
	v4 =	vmul.f32 $8.000000000e+00, v6;
	v6 =	vld [tilespmem:s28+$0x68B0];
	[tilespmem:s25+$0x10920] =	vst v0  }
0x9b: {  	s1 =	sadd.s32 s9, s6;
	s6 =	sshll.u32 s24, $0x6;
	s28 =	sshll.u32 s29, $0x6;
	v0 =	vmul.f32 $8.000000000e+00, v1;
	v1 =	vld [tilespmem:s26+$0x6930];
	[tilespmem:s25+$0x109A0] =	vst v3  }
0x9c: {  	s31 =	sadd.s32 s9, s8;
	s30 =	sadd.s32 s9, s7;
	s29 =	sadd.s32 s9, s28;
	v3 =	vld [tilespmem:s1+$0x6700];
	v5 =	vmul.f32 $8.000000000e+00, v5;
	[tilespmem:s25+$0x10730] =	vst v4  }
0x9d: {  	s26 =	sadd.s32 s9, s17;
	s28 =	sadd.s32 s9, s13;
	s13 =	sadd.s32 s9, s6;
	v4 =	vld [tilespmem:s29+$0x6680];
	[tilespmem:s9+$0x10A00] =	vst v0;
	v0 =	vmul.f32 $8.000000000e+00, v7  }
0x9e: {  	s24 =	smov.u32 s25;
	v7 =	vld [tilespmem:s0+$0x6A10];
	[tilespmem:s25+$0x106B0] =	vst v5;
	v2 =	vmul.f32 $8.000000000e+00, v2;
	s25 =	smov.u32 s9  }
0x9f: {  	v8 =	vld [tilespmem:s31+$0x6780];
	[tilespmem:s24+$0x107B0] =	vst v0;
	v5 =	vmul.f32 $8.000000000e+00, v6  }
.Ltmp0:
0xa0: {  	v0 =	vld [tilespmem:s30+$0x6800];
	[tilespmem:s24+$0x10830] =	vst v2;
	v6 =	vmul.f32 $8.000000000e+00, v1;
	(pc) =	sbr.rel @p0 .LBB2_3-.Ltmp0, $4  }
0xa1: {  	v3 =	vmul.f32 $8.000000000e+00, v3;
	v2 =	vld [tilespmem:s28+$0x6880];
	[tilespmem:s24+$0x108B0] =	vst v5  }
0xa2: {  	v4 =	vmul.f32 $8.000000000e+00, v4;
	v1 =	vld [tilespmem:s26+$0x6900];
	[tilespmem:s24+$0x10930] =	vst v6  }
0xa3: {  	[tilespmem:s25+$0x10700] =	vst v3;
	v3 =	vld [tilespmem:s13+$0x6980];
	v5 =	vmul.f32 $8.000000000e+00, v7  }
0xa4: {  	s12 =	sadd.s32 $0x8, s12;
	[tilespmem:s25+$0x10680] =	vst v4;
	v4 =	vld [tilespmem:s1+$0x6710];
	v6 =	vmul.f32 $8.000000000e+00, v8  }
0xa5: {  	[tilespmem:s25+$0x10A10] =	vst v5  }
0xa6: {  	v5 =	vld [tilespmem:s0+$0x6A20]  }
0xa7: {  	v0 =	vmul.f32 $8.000000000e+00, v0  }
0xa8: {  	[tilespmem:s25+$0x10780] =	vst v6;
	v2 =	vmul.f32 $8.000000000e+00, v2;
	v6 =	vld [tilespmem:s29+$0x6690]  }
0xa9: {  	[tilespmem:s25+$0x10800] =	vst v0;
	v0 =	vmul.f32 $8.000000000e+00, v1;
	v1 =	vld [tilespmem:s31+$0x6790]  }
0xaa: {  	[tilespmem:s25+$0x10880] =	vst v2;
	v2 =	vmul.f32 $8.000000000e+00, v3;
	v3 =	vld [tilespmem:s30+$0x6810]  }
0xab: {  	[tilespmem:s25+$0x10900] =	vst v0;
	v0 =	vmul.f32 $8.000000000e+00, v5;
	v5 =	vld [tilespmem:s28+$0x6890]  }
0xac: {  	v4 =	vmul.f32 $8.000000000e+00, v4;
	[tilespmem:s25+$0x10980] =	vst v2;
	v2 =	vld [tilespmem:s26+$0x6910]  }
0xad: {  	[tilespmem:s25+$0x10A20] =	vst v0;
	v0 =	vmul.f32 $8.000000000e+00, v6;
	v6 =	vld [tilespmem:s13+$0x6990]  }
0xae: {  	[tilespmem:s25+$0x10710] =	vst v4;
	v1 =	vmul.f32 $8.000000000e+00, v1;
	v4 =	vld [tilespmem:s0+$0x6A30]  }
0xaf: {  	v7 =	vld [tilespmem:s1+$0x6720];
	[tilespmem:s25+$0x10690] =	vst v0;
	v0 =	vmul.f32 $8.000000000e+00, v3  }
0xb0: {  	[tilespmem:s25+$0x10790] =	vst v1;
	v3 =	vld [tilespmem:s29+$0x66A0];
	v1 =	vmul.f32 $8.000000000e+00, v5  }
0xb1: {  	v5 =	vld [tilespmem:s31+$0x67A0];
	[tilespmem:s25+$0x10810] =	vst v0;
	v0 =	vmul.f32 $8.000000000e+00, v2  }
0xb2: {  	v2 =	vld [tilespmem:s30+$0x6820];
	[tilespmem:s25+$0x10890] =	vst v1;
	v1 =	vmul.f32 $8.000000000e+00, v6  }
0xb3: {  	v4 =	vmul.f32 $8.000000000e+00, v4;
	v6 =	vld [tilespmem:s28+$0x68A0];
	[tilespmem:s25+$0x10910] =	vst v0  }
0xb4: {  	v0 =	vmul.f32 $8.000000000e+00, v7;
	v7 =	vld [tilespmem:s26+$0x6920];
	[tilespmem:s25+$0x10990] =	vst v1  }
0xb5: {  	[tilespmem:s25+$0x10A30] =	vst v4;
	v1 =	vmul.f32 $8.000000000e+00, v3;
	v3 =	vld [tilespmem:s13+$0x69A0]  }
0xb6: {  	v4 =	vld [tilespmem:s23+$0x69B0];
	[tilespmem:s25+$0x10720] =	vst v0;
	v0 =	vmul.f32 $8.000000000e+00, v5  }
0xb7: {  	v5 =	vld [tilespmem:s1+$0x6730];
	[tilespmem:s25+$0x106A0] =	vst v1;
	v1 =	vmul.f32 $8.000000000e+00, v2  }
0xb8: {  	[tilespmem:s25+$0x107A0] =	vst v0;
	v2 =	vld [tilespmem:s29+$0x66B0];
	v0 =	vmul.f32 $8.000000000e+00, v6  }
0xb9: {  	v6 =	vld [tilespmem:s31+$0x67B0];
	[tilespmem:s25+$0x10820] =	vst v1;
	v1 =	vmul.f32 $8.000000000e+00, v7  }
0xba: {  	v7 =	vld [tilespmem:s30+$0x6830];
	[tilespmem:s25+$0x108A0] =	vst v0;
	v0 =	vmul.f32 $8.000000000e+00, v3  }
0xbb: {  	v3 =	vmul.f32 $8.000000000e+00, v4;
	v4 =	vld [tilespmem:s28+$0x68B0];
	[tilespmem:s25+$0x10920] =	vst v1  }
0xbc: {  	v1 =	vmul.f32 $8.000000000e+00, v5;
	v5 =	vld [tilespmem:s26+$0x6930];
	[tilespmem:s25+$0x109A0] =	vst v0  }
0xbd: {  	[tilespmem:s24+$0x109B0] =	vst v3;
	v0 =	vmul.f32 $8.000000000e+00, v2;
	v2 =	vld [tilespmem:s13+$0x69B0]  }
0xbe: {  	[tilespmem:s25+$0x10730] =	vst v1;
	v1 =	vmul.f32 $8.000000000e+00, v6  }
0xbf: {  	[tilespmem:s25+$0x106B0] =	vst v0;
	v0 =	vmul.f32 $8.000000000e+00, v7  }
0xc0: {  	p0 =	seq.s32 s21, $0x4F;
	[tilespmem:s25+$0x107B0] =	vst v1;
	v1 =	vmul.f32 $8.000000000e+00, v4  }
0xc1: {  	s0 =	sadd.s32 @!p0 $0x2, s22;
	[tilespmem:s25+$0x10830] =	vst v0;
	v0 =	vmul.f32 $8.000000000e+00, v5  }
0xc2: {  	s1 =	smul.u32 @!p0 $0x280, s0;
	[tilespmem:s25+$0x108B0] =	vst v1;
	v1 =	vmul.f32 $8.000000000e+00, v2  }
0xc3: {  	[tilespmem:s25+$0x10930] =	vst v0  }
0xc4: {  	s1 =	sshra.s32 @!p0 s1, $0x2;
	[tilespmem:s25+$0x109B0] =	vst v1  }
0xc5: {  	v0 =	vld @!p0 [tilespmem:s1+$0x0];
	_ =	sdelay $0x4  }
0xc6: {  	v0 =	vshrl.u32 @!p0 v0, $0x1  }
0xc7: {  	[tilespmem:$0x6480] =	vst @!p0 v0  }
0xc8: {  	v0 =	vld @!p0 [tilespmem:s1+$0x10];
	_ =	sdelay $0x4  }
0xc9: {  	v0 =	vshrl.u32 @!p0 v0, $0x1  }
0xca: {  	[tilespmem:$0x6490] =	vst @!p0 v0  }
0xcb: {  	v0 =	vld @!p0 [tilespmem:s1+$0x20];
	_ =	sdelay $0x4  }
0xcc: {  	v0 =	vshrl.u32 @!p0 v0, $0x1  }
0xcd: {  	[tilespmem:$0x64A0] =	vst @!p0 v0  }
0xce: {  	v0 =	vld @!p0 [tilespmem:s1+$0x30];
	_ =	sdelay $0x4  }
0xcf: {  	v0 =	vshrl.u32 @!p0 v0, $0x1  }
0xd0: {  	[tilespmem:$0x64B0] =	vst @!p0 v0  }
0xd1: {  	v0 =	vld @!p0 [tilespmem:s1+$0x40];
	_ =	sdelay $0x4  }
0xd2: {  	v0 =	vshrl.u32 @!p0 v0, $0x1  }
0xd3: {  	[tilespmem:$0x64C0] =	vst @!p0 v0  }
0xd4: {  	v0 =	vld @!p0 [tilespmem:s1+$0x50];
	_ =	sdelay $0x4  }
0xd5: {  	v0 =	vshrl.u32 @!p0 v0, $0x1  }
0xd6: {  	[tilespmem:$0x64D0] =	vst @!p0 v0  }
0xd7: {  	v0 =	vld @!p0 [tilespmem:s1+$0x60];
	_ =	sdelay $0x4  }
0xd8: {  	v0 =	vshrl.u32 @!p0 v0, $0x1  }
0xd9: {  	[tilespmem:$0x64E0] =	vst @!p0 v0  }
0xda: {  	v0 =	vld @!p0 [tilespmem:s1+$0x70];
	_ =	sdelay $0x3  }
0xdb: {  	s0 =	smul.u32 @!p0 $0xA0, s0  }
0xdc: {  	v0 =	vshrl.u32 @!p0 v0, $0x1  }
0xdd: {  	s1 =	sand.u32 @!p0 $0x1FFC0, s0;
	[tilespmem:$0x64F0] =	vst @!p0 v0  }
0xde: {  	v0 =	vld @!p0 [tilespmem:s1+$0x80];
	_ =	sdelay $0x4  }
0xdf: {  	v0 =	vshrl.u32 @!p0 v0, $0x1  }
0xe0: {  	[tilespmem:$0x6500] =	vst @!p0 v0  }
0xe1: {  	v0 =	vld @!p0 [tilespmem:s0+$0x90];
	_ =	sdelay $0x3  }
0xe2: {  	s7 =	smul.u32 $0x140, s21  }
0xe3: {  	s6 =	simm.s32 @!p0 $0x6680;
	v0 =	vshrl.u32 @!p0 v0, $0x1  }
0xe4: {  	s18 =	sadd.s32 s3, s7;
	s1 =	simm.s32 @!p0 $0x6480;
	s0 =	simm.s32 @!p0 $0xA0;
	[tilespmem:$0x6510] =	vst @!p0 v0  }
0xe5: {  	[tilespmem:s6], [sflag:$0x1] =	stream.indirect.gather @!p0 [hbm4b:s4+s0], $0x80, s1, s0, $0xb8;
	[tilespmem:$0x1A680] =	vst v63  }
0xe6: {  	s0 =	sshll.u32 s18, $0x4  }
0xe7: {  	s0 =	sadd.s32 s5, s0  }
0xe8: {  	[hbm4b:s0+s2] =	stream.linear.scatter [tilespmem:s15], [sflag:$0x2], $0x5000, $0x38;
	[tilespmem:$0x1A680] =	vst v63  }
0xe9: {  	_ =	swait.ge [sflag:s14], $0x5000  }
0xea: {  	[sflag:s14] =	ssyncset.done $0x0  }
0xeb: {  	s0 =	simm.s32 @!p1 $0x2;
	[sflag:s14] =	ssyncadd.s32 $0xFFFFB000  }
0xec: {  	_ =	swait.ge @!p1 [sflag:s0], $0x5000  }
0xed: {  	[sflag:s0] =	ssyncset.done @!p1 $0x0  }
0xee: {  	[sflag:s0] =	ssyncadd.s32 @!p1 $0xFFFFB000  }
0xef: {  	v0 =	vld [tilespmem:s20+$0x0]  }
0xf0: {  	v1 =	vld [tilespmem:s20+$0xFFFFFFFA]  }
0xf1: {  	v2 =	vld [tilespmem:s20+$0xFFFFFFFB]  }
0xf2: {  	v3 =	vld [tilespmem:s20+$0xFFFFFFFC]  }
0xf3: {  	v4 =	vld [tilespmem:s20+$0xFFFFFFFD]  }
0xf4: {  	v5 =	vld [tilespmem:s20+$0xFFFFFFFE];
	(v2sf) =	vpush v0, $0x0  }
0xf5: {  	v0 =	vld [tilespmem:s20+$0xFFFFFFFF];
	(v2sf) =	vpush v1, $0x0  }
0xf6: {  	(v2sf) =	vpush v2, $0x0  }
0xf7: {  	(v2sf) =	vpush v3, $0x0  }
0xf8: {  	(v2sf) =	vpush v4, $0x0  }
0xf9: {  	(v2sf) =	vpush v5, $0x0  }
0xfa: {  	(v2sf) =	vpush v0, $0x0;
	_ =	sdelay $0x1  }
0xfb: {  	v1 =	vld [tilespmem:s20+$0xFFFFFFF9];
	_ =	sdelay $0x4  }
0xfc: {  	(v2sf) =	vpush v1, $0x0;
	_ =	sdelay $0x1  }
0xfd: {  	s23 =	spop (v2sf)  }
0xfe: {  	s0 =	sand.u32 $0x1, s23;
	s24 =	spop (v2sf)  }
0xff: {  	s0 =	sshll.u32 s0, $0x6;
	s25 =	spop (v2sf)  }
0x100: {  	s12 =	sand.u32 $0x1, s24;
	s10 =	sadd.s32 $0x0, s0;
	s26 =	spop (v2sf)  }
0x101: {  	s0 =	sshll.u32 s12, $0x6;
	s6 =	sand.u32 $0x1, s25;
	s8 =	spop (v2sf)  }
0x102: {  	s11 =	sadd.s32 $0x0, s0;
	s18 =	sand.u32 $0x1, s26;
	s9 =	spop (v2sf)  }
0x103: {  	v0 =	vld [tilespmem:s10+$0xBA00];
	s6 =	sshll.u32 s6, $0x6;
	s23 =	sand.u32 $0x1, s8;
	s13 =	spop (v2sf)  }
0x104: {  	v1 =	vld [tilespmem:s11+$0xB700];
	s25 =	sadd.s32 $0x0, s6;
	s7 =	sshll.u32 s23, $0x6;
	s8 =	sand.u32 $0x1, s13  }
0x105: {  	s26 =	sand.u32 $0x1, s9;
	v3 =	vld [tilespmem:s25+$0xB780];
	s9 =	sadd.s32 $0x0, s7;
	s13 =	sshll.u32 s8, $0x6  }
0x106: {  	v5 =	vld [tilespmem:s9+$0xB880];
	s23 =	sadd.s32 $0x0, s13;
	s13 =	sadd.s32 $0x8, s20  }
0x107: {  	v8 =	vld [tilespmem:s13+$0x0]  }
0x108: {  	v9 =	vld [tilespmem:s13+$0xFFFFFFFA]  }
0x109: {  	v10 =	vld [tilespmem:s13+$0xFFFFFFFB]  }
0x10a: {  	s17 =	spop (v2sf);
	v0 =	vmul.f32 $8.000000000e+00, v0;
	v11 =	vld [tilespmem:s13+$0xFFFFFFFC]  }
0x10b: {  	s24 =	simm.s32 $0x0;
	s1 =	sand.u32 $0x1, s17;
	v12 =	vld [tilespmem:s13+$0xFFFFFFFD]  }
0x10c: {  	s1 =	sshll.u32 s1, $0x6;
	v63 =	vld [tilespmem:s13+$0xFFFFFFFF];
	[tilespmem:s24+$0x15A00] =	vst v0  }
0x10d: {  	s0 =	sadd.s32 $0x0, s1;
	s1 =	sshll.u32 s18, $0x6;
	v0 =	vld [tilespmem:s10+$0xBA10]  }
0x10e: {  	s6 =	sshll.u32 s26, $0x6;
	v2 =	vld [tilespmem:s0+$0xB680];
	s12 =	sadd.s32 $0x0, s1  }
0x10f: {  	v1 =	vmul.f32 $8.000000000e+00, v1;
	s1 =	sadd.s32 $0x0, s6;
	v4 =	vld [tilespmem:s12+$0xB800]  }
0x110: {  	v6 =	vld [tilespmem:s1+$0xB900]  }
0x111: {  	[tilespmem:s24+$0x15700] =	vst v1;
	v1 =	vld [tilespmem:s23+$0xB980]  }
0x112: {  	(v2sf) =	vpush v8, $0x0;
	v8 =	vld [tilespmem:s13+$0xFFFFFFFE];
	v0 =	vmul.f32 $8.000000000e+00, v0  }
0x113: {  	v7 =	vld [tilespmem:s11+$0xB710];
	v2 =	vmul.f32 $8.000000000e+00, v2;
	(v2sf) =	vpush v9, $0x0  }
0x114: {  	(v2sf) =	vpush v10, $0x0;
	[tilespmem:s24+$0x15A10] =	vst v0;
	v0 =	vmul.f32 $8.000000000e+00, v3;
	v3 =	vld [tilespmem:s13+$0xFFFFFFF9]  }
0x115: {  	[tilespmem:s24+$0x15680] =	vst v2;
	v2 =	vmul.f32 $8.000000000e+00, v4;
	(v2sf) =	vpush v11, $0x0;
	v4 =	vld [tilespmem:s10+$0xBA20]  }
0x116: {  	(v2sf) =	vpush v12, $0x0;
	[tilespmem:s24+$0x15780] =	vst v0;
	v0 =	vmul.f32 $8.000000000e+00, v5;
	v5 =	vld [tilespmem:s0+$0xB690]  }
0x117: {  	[tilespmem:s24+$0x15800] =	vst v2;
	v2 =	vmul.f32 $8.000000000e+00, v6;
	(v2sf) =	vpush v8, $0x0;
	v6 =	vld [tilespmem:s25+$0xB790]  }
0x118: {  	(v2sf) =	vpush v63, $0x0;
	[tilespmem:s24+$0x15880] =	vst v0;
	v0 =	vmul.f32 $8.000000000e+00, v1;
	v1 =	vld [tilespmem:s12+$0xB810]  }
0x119: {  	v7 =	vmul.f32 $8.000000000e+00, v7;
	[tilespmem:s24+$0x15900] =	vst v2;
	(v2sf) =	vpush v3, $0x0;
	v2 =	vld [tilespmem:s9+$0xB890]  }
0x11a: {  	v3 =	vld [tilespmem:s1+$0xB910];
	[tilespmem:s24+$0x15980] =	vst v0;
	v0 =	vmul.f32 $8.000000000e+00, v4  }
0x11b: {  	[tilespmem:s24+$0x15710] =	vst v7;
	v4 =	vmul.f32 $8.000000000e+00, v5;
	v5 =	vld [tilespmem:s23+$0xB990]  }
0x11c: {  	[tilespmem:s24+$0x15A20] =	vst v0;
	v0 =	vld [tilespmem:s11+$0xB720];
	v6 =	vmul.f32 $8.000000000e+00, v6  }
0x11d: {  	v7 =	vld [tilespmem:s10+$0xBA30];
	[tilespmem:s24+$0x15690] =	vst v4;
	v1 =	vmul.f32 $8.000000000e+00, v1  }
0x11e: {  	v4 =	vld [tilespmem:s0+$0xB6A0];
	[tilespmem:s24+$0x15790] =	vst v6;
	v2 =	vmul.f32 $8.000000000e+00, v2  }
0x11f: {  	v6 =	vld [tilespmem:s25+$0xB7A0];
	[tilespmem:s24+$0x15810] =	vst v1;
	v1 =	vmul.f32 $8.000000000e+00, v3  }
0x120: {  	v3 =	vld [tilespmem:s12+$0xB820];
	[tilespmem:s24+$0x15890] =	vst v2;
	v2 =	vmul.f32 $8.000000000e+00, v5  }
0x121: {  	s17 =	spop (v2sf);
	v0 =	vmul.f32 $8.000000000e+00, v0;
	v5 =	vld [tilespmem:s9+$0xB8A0];
	[tilespmem:s24+$0x15910] =	vst v1  }
0x122: {  	s6 =	sand.u32 $0x1, s17;
	s18 =	spop (v2sf);
	v1 =	vmul.f32 $8.000000000e+00, v7;
	v7 =	vld [tilespmem:s1+$0xB920];
	[tilespmem:s24+$0x15990] =	vst v2  }
0x123: {  	s6 =	sshll.u32 s6, $0x6;
	s8 =	spop (v2sf);
	v2 =	vmul.f32 $8.000000000e+00, v4;
	[tilespmem:s24+$0x15720] =	vst v0;
	v0 =	vld [tilespmem:s23+$0xB9A0]  }
0x124: {  	s10 =	sadd.s32 $0x400, s6;
	s6 =	spop (v2sf);
	[tilespmem:s24+$0x15A30] =	vst v1;
	v1 =	vld [tilespmem:s11+$0xB730];
	v4 =	vmul.f32 $8.000000000e+00, v6  }
0x125: {  	v6 =	vld [tilespmem:s10+$0xBA00];
	s11 =	spop (v2sf);
	[tilespmem:s24+$0x156A0] =	vst v2;
	v2 =	vmul.f32 $8.000000000e+00, v3  }
0x126: {  	s17 =	spop (v2sf);
	v3 =	vld [tilespmem:s0+$0xB6B0];
	[tilespmem:s24+$0x157A0] =	vst v4;
	v4 =	vmul.f32 $8.000000000e+00, v5  }
0x127: {  	s26 =	spop (v2sf);
	v5 =	vld [tilespmem:s25+$0xB7B0];
	[tilespmem:s24+$0x15820] =	vst v2;
	v2 =	vmul.f32 $8.000000000e+00, v7  }
0x128: {  	s18 =	sand.u32 $0x1, s18;
	s25 =	spop (v2sf);
	v7 =	vld [tilespmem:s12+$0xB830];
	[tilespmem:s24+$0x158A0] =	vst v4;
	v0 =	vmul.f32 $8.000000000e+00, v0  }
0x129: {  	s0 =	sshll.u32 s18, $0x6;
	s7 =	sand.u32 $0x1, s25;
	v1 =	vmul.f32 $8.000000000e+00, v1;
	v4 =	vld [tilespmem:s9+$0xB8B0];
	[tilespmem:s24+$0x15920] =	vst v2  }
0x12a: {  	s0 =	sadd.s32 $0x400, s0;
	v2 =	vmul.f32 $8.000000000e+00, v6;
	s7 =	sshll.u32 s7, $0x6;
	v6 =	vld [tilespmem:s1+$0xB930];
	[tilespmem:s24+$0x159A0] =	vst v0  }
0x12b: {  	v8 =	vld [tilespmem:s0+$0xB700];
	s25 =	simm.s32 $0x400;
	s9 =	sand.u32 $0x1, s8;
	s30 =	sadd.s32 $0x400, s7;
	v0 =	vmul.f32 $8.000000000e+00, v3;
	[tilespmem:s24+$0x15730] =	vst v1  }
0x12c: {  	s6 =	sand.u32 $0x1, s6;
	s1 =	sshll.u32 s9, $0x6;
	[tilespmem:s25+$0x15A00] =	vst v2;
	v1 =	vld [tilespmem:s30+$0xB680];
	v2 =	vmul.f32 $8.000000000e+00, v5  }
0x12d: {  	s6 =	sshll.u32 s6, $0x6;
	s12 =	sand.u32 $0x1, s11;
	s1 =	sadd.s32 $0x400, s1;
	v5 =	vld [tilespmem:s10+$0xBA10];
	[tilespmem:s24+$0x156B0] =	vst v0;
	v3 =	vmul.f32 $8.000000000e+00, v7  }
0x12e: {  	s31 =	sadd.s32 $0x400, s6;
	s18 =	sand.u32 $0x1, s17;
	s7 =	sshll.u32 s12, $0x6;
	v7 =	vld [tilespmem:s1+$0xB780];
	[tilespmem:s24+$0x157B0] =	vst v2;
	v4 =	vmul.f32 $8.000000000e+00, v4  }
0x12f: {  	s26 =	sand.u32 $0x1, s26;
	s8 =	sshll.u32 s18, $0x6;
	s29 =	sadd.s32 $0x400, s7;
	v0 =	vld [tilespmem:s31+$0xB800];
	[tilespmem:s24+$0x15830] =	vst v3;
	v3 =	vmul.f32 $8.000000000e+00, v6  }
0x130: {  	s6 =	sshll.u32 s26, $0x6;
	s28 =	sadd.s32 $0x400, s8;
	v2 =	vld [tilespmem:s29+$0xB880];
	v6 =	vmul.f32 $8.000000000e+00, v8;
	[tilespmem:s24+$0x158B0] =	vst v4  }
0x131: {  	s9 =	sadd.s32 $0x400, s6;
	v4 =	vmul.f32 $8.000000000e+00, v1;
	v1 =	vld [tilespmem:s28+$0xB900];
	[tilespmem:s24+$0x15930] =	vst v3  }
0x132: {  	s13 =	sadd.s32 $0x8, s13;
	[tilespmem:s25+$0x15700] =	vst v6;
	v3 =	vld [tilespmem:s9+$0xB980];
	v5 =	vmul.f32 $8.000000000e+00, v5  }
0x133: {  	s26 =	sor.u32 $0x1, s22;
	s11 =	simm.s32 $0x8;
	s12 =	simm.s32 $0x1000;
	v6 =	vmul.f32 $8.000000000e+00, v7;
	[tilespmem:s25+$0x15680] =	vst v4;
	v4 =	vld [tilespmem:s0+$0xB710]  }
.LBB2_5:
0x134: {  	v7 =	vld [tilespmem:s13+$0x0];
	v0 =	vmul.f32 $8.000000000e+00, v0;
	[tilespmem:s25+$0x15A10] =	vst v5  }
0x135: {  	s11 =	sadd.s32 $0x8, s11;
	[tilespmem:s25+$0x15780] =	vst v6;
	v2 =	vmul.f32 $8.000000000e+00, v2;
	v5 =	vld [tilespmem:s10+$0xBA20]  }
0x136: {  	p1 =	slt.u32 s11, $0x98;
	v6 =	vld [tilespmem:s13+$0xFFFFFFFA];
	[tilespmem:s25+$0x15800] =	vst v0;
	v0 =	vmul.f32 $8.000000000e+00, v1  }
0x137: {  	v1 =	vld [tilespmem:s13+$0xFFFFFFFB];
	[tilespmem:s25+$0x15880] =	vst v2;
	v2 =	vmul.f32 $8.000000000e+00, v3  }
0x138: {  	v3 =	vld [tilespmem:s13+$0xFFFFFFFC];
	v4 =	vmul.f32 $8.000000000e+00, v4;
	[tilespmem:s25+$0x15900] =	vst v0  }
0x139: {  	v0 =	vld [tilespmem:s13+$0xFFFFFFFD];
	[tilespmem:s25+$0x15980] =	vst v2  }
0x13a: {  	v2 =	vld [tilespmem:s13+$0xFFFFFFFE];
	(v2sf) =	vpush v7, $0x0;
	[tilespmem:s25+$0x15710] =	vst v4;
	v4 =	vmul.f32 $8.000000000e+00, v5  }
0x13b: {  	v5 =	vld [tilespmem:s13+$0xFFFFFFFF];
	(v2sf) =	vpush v6, $0x0  }
0x13c: {  	v6 =	vld [tilespmem:s13+$0xFFFFFFF9];
	(v2sf) =	vpush v1, $0x0;
	[tilespmem:s25+$0x15A20] =	vst v4  }
0x13d: {  	(v2sf) =	vpush v3, $0x0;
	v1 =	vld [tilespmem:s10+$0xBA30]  }
0x13e: {  	(v2sf) =	vpush v0, $0x0;
	v0 =	vld [tilespmem:s30+$0xB690]  }
0x13f: {  	(v2sf) =	vpush v2, $0x0;
	v2 =	vld [tilespmem:s1+$0xB790]  }
0x140: {  	(v2sf) =	vpush v5, $0x0;
	v3 =	vld [tilespmem:s31+$0xB810]  }
0x141: {  	(v2sf) =	vpush v6, $0x0;
	v4 =	vld [tilespmem:s29+$0xB890]  }
0x142: {  	v5 =	vld [tilespmem:s28+$0xB910];
	v1 =	vmul.f32 $8.000000000e+00, v1  }
0x143: {  	v0 =	vmul.f32 $8.000000000e+00, v0;
	v6 =	vld [tilespmem:s9+$0xB990]  }
0x144: {  	v7 =	vld [tilespmem:s0+$0xB720];
	v2 =	vmul.f32 $8.000000000e+00, v2;
	[tilespmem:s25+$0x15A30] =	vst v1  }
0x145: {  	[tilespmem:s25+$0x15690] =	vst v0;
	v0 =	vmul.f32 $8.000000000e+00, v3;
	v1 =	vld [tilespmem:s23+$0xB9B0];
	s23 =	smov.u32 s9  }
0x146: {  	v3 =	vld [tilespmem:s30+$0xB6A0];
	[tilespmem:s25+$0x15790] =	vst v2;
	v2 =	vmul.f32 $8.000000000e+00, v4  }
0x147: {  	v4 =	vld [tilespmem:s1+$0xB7A0];
	[tilespmem:s25+$0x15810] =	vst v0;
	v0 =	vmul.f32 $8.000000000e+00, v5  }
0x148: {  	v5 =	vld [tilespmem:s31+$0xB820];
	[tilespmem:s25+$0x15890] =	vst v2;
	v2 =	vmul.f32 $8.000000000e+00, v6  }
0x149: {  	s6 =	spop (v2sf);
	v6 =	vmul.f32 $8.000000000e+00, v7;
	v7 =	vld [tilespmem:s29+$0xB8A0];
	[tilespmem:s25+$0x15910] =	vst v0  }
0x14a: {  	s12 =	sadd.s32 $0x1000, s12;
	s7 =	sand.u32 $0x1, s6;
	s8 =	spop (v2sf);
	v0 =	vld [tilespmem:s28+$0xB920];
	[tilespmem:s25+$0x15990] =	vst v2;
	v1 =	vmul.f32 $8.000000000e+00, v1  }
0x14b: {  	s6 =	sshra.s32 s12, $0x2;
	s7 =	sshll.u32 s7, $0x6;
	s9 =	spop (v2sf);
	v2 =	vmul.f32 $8.000000000e+00, v3;
	[tilespmem:s25+$0x15720] =	vst v6;
	v3 =	vld [tilespmem:s23+$0xB9A0]  }
0x14c: {  	s8 =	sand.u32 $0x1, s8;
	s10 =	sadd.s32 s6, s7;
	s7 =	spop (v2sf);
	v6 =	vld [tilespmem:s0+$0xB730];
	v4 =	vmul.f32 $8.000000000e+00, v4;
	[tilespmem:s24+$0x159B0] =	vst v1  }
0x14d: {  	s0 =	sand.u32 $0x1, s9;
	s7 =	sand.u32 $0x1, s7;
	v1 =	vld [tilespmem:s10+$0xBA00];
	s9 =	spop (v2sf);
	[tilespmem:s25+$0x156A0] =	vst v2;
	v2 =	vmul.f32 $8.000000000e+00, v5  }
0x14e: {  	s8 =	sshll.u32 s8, $0x6;
	s9 =	sand.u32 $0x1, s9;
	s17 =	spop (v2sf);
	v5 =	vld [tilespmem:s30+$0xB6B0];
	[tilespmem:s25+$0x157A0] =	vst v4;
	v4 =	vmul.f32 $8.000000000e+00, v7  }
0x14f: {  	s24 =	sshll.u32 s0, $0x6;
	s0 =	sand.u32 $0x1, s17;
	s17 =	spop (v2sf);
	v7 =	vld [tilespmem:s1+$0xB7B0];
	[tilespmem:s25+$0x15820] =	vst v2;
	v0 =	vmul.f32 $8.000000000e+00, v0  }
0x150: {  	s7 =	sshll.u32 s7, $0x6;
	s1 =	sand.u32 $0x1, s17;
	s17 =	spop (v2sf);
	v2 =	vld [tilespmem:s31+$0xB830];
	[tilespmem:s25+$0x158A0] =	vst v4;
	v3 =	vmul.f32 $8.000000000e+00, v3  }
0x151: {  	s9 =	sshll.u32 s9, $0x6;
	s18 =	sshll.u32 s0, $0x6;
	s17 =	sand.u32 $0x1, s17;
	v4 =	vmul.f32 $8.000000000e+00, v6;
	v6 =	vld [tilespmem:s29+$0xB8B0];
	[tilespmem:s25+$0x15920] =	vst v0  }
0x152: {  	s0 =	sadd.s32 s6, s8;
	s8 =	sshll.u32 s1, $0x6;
	s17 =	sshll.u32 s17, $0x6;
	v0 =	vmul.f32 $8.000000000e+00, v1;
	v1 =	vld [tilespmem:s28+$0xB930];
	[tilespmem:s25+$0x159A0] =	vst v3  }
0x153: {  	s31 =	sadd.s32 s6, s7;
	s1 =	sadd.s32 s6, s24;
	s30 =	sadd.s32 s6, s17;
	v3 =	vld [tilespmem:s0+$0xB700];
	v5 =	vmul.f32 $8.000000000e+00, v5;
	[tilespmem:s25+$0x15730] =	vst v4  }
0x154: {  	s29 =	sadd.s32 s6, s9;
	s28 =	sadd.s32 s6, s18;
	s9 =	sadd.s32 s6, s8;
	v4 =	vld [tilespmem:s30+$0xB680];
	[tilespmem:s6+$0x15A00] =	vst v0;
	v0 =	vmul.f32 $8.000000000e+00, v7  }
0x155: {  	s24 =	smov.u32 s25;
	v7 =	vld [tilespmem:s10+$0xBA10];
	[tilespmem:s25+$0x156B0] =	vst v5;
	v2 =	vmul.f32 $8.000000000e+00, v2;
	s25 =	smov.u32 s6  }
0x156: {  	v8 =	vld [tilespmem:s1+$0xB780];
	[tilespmem:s24+$0x157B0] =	vst v0;
	v5 =	vmul.f32 $8.000000000e+00, v6  }
.Ltmp1:
0x157: {  	v0 =	vld [tilespmem:s31+$0xB800];
	[tilespmem:s24+$0x15830] =	vst v2;
	v6 =	vmul.f32 $8.000000000e+00, v1;
	(pc) =	sbr.rel @p1 .LBB2_5-.Ltmp1, $4  }
0x158: {  	v3 =	vmul.f32 $8.000000000e+00, v3;
	v2 =	vld [tilespmem:s29+$0xB880];
	[tilespmem:s24+$0x158B0] =	vst v5  }
0x159: {  	v4 =	vmul.f32 $8.000000000e+00, v4;
	v1 =	vld [tilespmem:s28+$0xB900];
	[tilespmem:s24+$0x15930] =	vst v6  }
0x15a: {  	[tilespmem:s25+$0x15700] =	vst v3;
	v3 =	vld [tilespmem:s9+$0xB980];
	v5 =	vmul.f32 $8.000000000e+00, v7  }
0x15b: {  	s13 =	sadd.s32 $0x8, s13;
	[tilespmem:s25+$0x15680] =	vst v4;
	v4 =	vld [tilespmem:s0+$0xB710];
	v6 =	vmul.f32 $8.000000000e+00, v8  }
0x15c: {  	[tilespmem:s25+$0x15A10] =	vst v5;
	v0 =	vmul.f32 $8.000000000e+00, v0;
	v20 =	vld [tilespmem:s30+$0xB690]  }
0x15d: {  	v43 =	vld [tilespmem:s23+$0xB9B0];
	[tilespmem:s25+$0x15780] =	vst v6;
	v2 =	vmul.f32 $8.000000000e+00, v2  }
0x15e: {  	[tilespmem:s25+$0x15800] =	vst v0;
	v21 =	vmul.f32 $8.000000000e+00, v1;
	v22 =	vld [tilespmem:s1+$0xB790]  }
0x15f: {  	[tilespmem:s25+$0x15880] =	vst v2;
	v23 =	vmul.f32 $8.000000000e+00, v3;
	v24 =	vld [tilespmem:s31+$0xB810]  }
0x160: {  	[tilespmem:s25+$0x15900] =	vst v21;
	v26 =	vld [tilespmem:s29+$0xB890];
	v4 =	vmul.f32 $8.000000000e+00, v4  }
0x161: {  	[tilespmem:s25+$0x15980] =	vst v23;
	v27 =	vld [tilespmem:s28+$0xB910];
	v28 =	vmul.f32 $8.000000000e+00, v20  }
0x162: {  	v53 =	vmul.f32 $8.000000000e+00, v43;
	v29 =	vld [tilespmem:s9+$0xB990];
	[tilespmem:s25+$0x15710] =	vst v4  }
0x163: {  	v5 =	vld [tilespmem:s10+$0xBA20];
	v1 =	vmul.f32 $8.000000000e+00, v22;
	[tilespmem:s25+$0x15690] =	vst v28  }
0x164: {  	v7 =	vld [tilespmem:s0+$0xB720];
	[tilespmem:s24+$0x159B0] =	vst v53;
	v31 =	vmul.f32 $8.000000000e+00, v24  }
0x165: {  	v32 =	vld [tilespmem:s30+$0xB6A0];
	[tilespmem:s25+$0x15790] =	vst v1;
	v33 =	vmul.f32 $8.000000000e+00, v26  }
0x166: {  	v34 =	vld [tilespmem:s1+$0xB7A0];
	[tilespmem:s25+$0x15810] =	vst v31;
	v35 =	vmul.f32 $8.000000000e+00, v27  }
0x167: {  	v36 =	vld [tilespmem:s31+$0xB820];
	[tilespmem:s25+$0x15890] =	vst v33;
	v37 =	vmul.f32 $8.000000000e+00, v29  }
0x168: {  	v25 =	vmul.f32 $8.000000000e+00, v5;
	v38 =	vld [tilespmem:s29+$0xB8A0];
	[tilespmem:s25+$0x15910] =	vst v35  }
0x169: {  	v39 =	vmul.f32 $8.000000000e+00, v7;
	v40 =	vld [tilespmem:s28+$0xB920];
	[tilespmem:s25+$0x15990] =	vst v37  }
0x16a: {  	[tilespmem:s25+$0x15A20] =	vst v25;
	v41 =	vmul.f32 $8.000000000e+00, v32;
	v42 =	vld [tilespmem:s9+$0xB9A0]  }
0x16b: {  	v30 =	vld [tilespmem:s10+$0xBA30];
	[tilespmem:s25+$0x15720] =	vst v39;
	v44 =	vmul.f32 $8.000000000e+00, v34  }
0x16c: {  	v45 =	vld [tilespmem:s0+$0xB730];
	[tilespmem:s25+$0x156A0] =	vst v41;
	v46 =	vmul.f32 $8.000000000e+00, v36  }
0x16d: {  	v47 =	vld [tilespmem:s30+$0xB6B0];
	[tilespmem:s25+$0x157A0] =	vst v44;
	v48 =	vmul.f32 $8.000000000e+00, v38  }
0x16e: {  	v49 =	vld [tilespmem:s1+$0xB7B0];
	[tilespmem:s25+$0x15820] =	vst v46;
	v50 =	vmul.f32 $8.000000000e+00, v40  }
0x16f: {  	v51 =	vld [tilespmem:s31+$0xB830];
	[tilespmem:s25+$0x158A0] =	vst v48;
	v52 =	vmul.f32 $8.000000000e+00, v42  }
0x170: {  	v4 =	vmul.f32 $8.000000000e+00, v30;
	v54 =	vld [tilespmem:s29+$0xB8B0];
	[tilespmem:s25+$0x15920] =	vst v50  }
0x171: {  	v55 =	vmul.f32 $8.000000000e+00, v45;
	v56 =	vld [tilespmem:s28+$0xB930];
	[tilespmem:s25+$0x159A0] =	vst v52  }
0x172: {  	[tilespmem:s25+$0x15A30] =	vst v4;
	v57 =	vmul.f32 $8.000000000e+00, v47;
	v58 =	vld [tilespmem:s9+$0xB9B0]  }
0x173: {  	[tilespmem:s25+$0x15730] =	vst v55;
	v59 =	vmul.f32 $8.000000000e+00, v49  }
0x174: {  	[tilespmem:s25+$0x156B0] =	vst v57;
	v60 =	vmul.f32 $8.000000000e+00, v51  }
0x175: {  	[tilespmem:s25+$0x157B0] =	vst v59;
	v61 =	vmul.f32 $8.000000000e+00, v54  }
0x176: {  	s0 =	sadd.s32 @!p0 $0x3, s22;
	[tilespmem:s25+$0x15830] =	vst v60;
	v62 =	vmul.f32 $8.000000000e+00, v56  }
0x177: {  	s1 =	smul.u32 @!p0 $0x280, s0;
	[tilespmem:s25+$0x158B0] =	vst v61;
	v63 =	vmul.f32 $8.000000000e+00, v58  }
0x178: {  	[tilespmem:s25+$0x15930] =	vst v62  }
0x179: {  	s1 =	sshra.s32 @!p0 s1, $0x2;
	[tilespmem:s25+$0x159B0] =	vst v63  }
0x17a: {  	v0 =	vld @!p0 [tilespmem:s1+$0x0];
	_ =	sdelay $0x4  }
0x17b: {  	v0 =	vshrl.u32 @!p0 v0, $0x1  }
0x17c: {  	[tilespmem:$0x6580] =	vst @!p0 v0  }
0x17d: {  	v0 =	vld @!p0 [tilespmem:s1+$0x10];
	_ =	sdelay $0x4  }
0x17e: {  	v0 =	vshrl.u32 @!p0 v0, $0x1  }
0x17f: {  	[tilespmem:$0x6590] =	vst @!p0 v0  }
0x180: {  	v0 =	vld @!p0 [tilespmem:s1+$0x20];
	_ =	sdelay $0x4  }
0x181: {  	v0 =	vshrl.u32 @!p0 v0, $0x1  }
0x182: {  	[tilespmem:$0x65A0] =	vst @!p0 v0  }
0x183: {  	v0 =	vld @!p0 [tilespmem:s1+$0x30];
	_ =	sdelay $0x4  }
0x184: {  	v0 =	vshrl.u32 @!p0 v0, $0x1  }
0x185: {  	[tilespmem:$0x65B0] =	vst @!p0 v0  }
0x186: {  	v0 =	vld @!p0 [tilespmem:s1+$0x40];
	_ =	sdelay $0x4  }
0x187: {  	v0 =	vshrl.u32 @!p0 v0, $0x1  }
0x188: {  	[tilespmem:$0x65C0] =	vst @!p0 v0  }
0x189: {  	v0 =	vld @!p0 [tilespmem:s1+$0x50];
	_ =	sdelay $0x4  }
0x18a: {  	v0 =	vshrl.u32 @!p0 v0, $0x1  }
0x18b: {  	[tilespmem:$0x65D0] =	vst @!p0 v0  }
0x18c: {  	v0 =	vld @!p0 [tilespmem:s1+$0x60];
	_ =	sdelay $0x4  }
0x18d: {  	v0 =	vshrl.u32 @!p0 v0, $0x1  }
0x18e: {  	[tilespmem:$0x65E0] =	vst @!p0 v0  }
0x18f: {  	v0 =	vld @!p0 [tilespmem:s1+$0x70];
	_ =	sdelay $0x3  }
0x190: {  	s0 =	smul.u32 @!p0 $0xA0, s0  }
0x191: {  	v0 =	vshrl.u32 @!p0 v0, $0x1  }
0x192: {  	s1 =	sand.u32 @!p0 $0x1FFE0, s0;
	[tilespmem:$0x65F0] =	vst @!p0 v0  }
0x193: {  	v0 =	vld @!p0 [tilespmem:s1+$0x80];
	_ =	sdelay $0x4  }
0x194: {  	v0 =	vshrl.u32 @!p0 v0, $0x1  }
0x195: {  	[tilespmem:$0x6600] =	vst @!p0 v0  }
0x196: {  	v0 =	vld @!p0 [tilespmem:s0+$0x90];
	_ =	sdelay $0x4  }
0x197: {  	s6 =	simm.s32 @!p0 $0xB680;
	v0 =	vshrl.u32 @!p0 v0, $0x1  }
0x198: {  	s21 =	sadd.s32 $0x1, s21;
	s1 =	simm.s32 @!p0 $0x6580;
	s0 =	simm.s32 @!p0 $0xA0;
	[tilespmem:$0x6610] =	vst @!p0 v0  }
0x199: {  	[tilespmem:s6], [sflag:$0x1] =	stream.indirect.gather @!p0 [hbm4b:s4+s0], $0x80, s1, s0, $0xb8;
	[tilespmem:$0x1A680] =	vst v63  }
0x19a: {  	s7 =	smul.u32 $0xA0, s26;
	p0 =	sne.s32 s21, $0x50  }
.Ltmp2:
0x19b: {  	_ = 	snop;
	(pc) =	sbr.rel @p0 .LBB2_2-.Ltmp2, $4  }
0x19c: {  	s31 =	sadd.s32 s3, s7  }
0x19d: {  	s0 =	sshll.u32 s31, $0x4  }
0x19e: {  	s19 =	sadd.s32 $0x140, s19;
	s20 =	sadd.s32 $0x140, s20;
	s0 =	sadd.s32 s5, s0  }
0x19f: {  	[hbm4b:s0+s2] =	stream.linear.scatter [tilespmem:s16], [sflag:$0x2], $0x5000, $0x38;
	[tilespmem:$0x1A680] =	vst v63  }
0x1a0: {  	s1 =	simm.s32 $0x2  }
0x1a1: {  	_ =	swait.ge [sflag:s1], $0x5000  }
0x1a2: {  	[sflag:s1] =	ssyncset.done $0x0  }
0x1a3: {  	[sflag:s1] =	ssyncadd.s32 $0xFFFFB000  }
0x1a4: {  	_ =	swait.ge [sflag:s1], $0x5000  }
0x1a5: {  	s6 =	rddreg [dreg:$0x5]  }
0x1a6: {  	s0 =	rddreg [dreg:$0x4];
	s6 =	sadd.s32 $0x1, s6  }
0x1a7: {  	p0 =	sne.s32 s6, s0  }
.Ltmp3:
0x1a8: {  	_ = 	snop;
	(pc) =	sbr.rel @p0 .LBB2_1-.Ltmp3, $3  }
0x1a9: {  	_ =	sdelay $0x1  }
0x1aa: {  	[sflag:s1] =	ssyncset.done $0x0  }
0x1ab: {  	[sflag:s1] =	ssyncadd.s32 $0xFFFFB000  }
0x1ac: {  	_ =	sfence.sel $0x180000  }
0x1ad: {  	[bflag:$0x0] =	sbarrier.arrive $0xFFFF  }
0x1ae: {  	_ =	strace $0x90000047  }
0x1af: {  	s0 =	stileid.u32;
	[bflag:$0x2] =	sbarrier.arrive $0xFFFF  }
0x1b0: {  	p0 =	sne.s32 s0, $0x0;
	s0 =	rddreg [dreg:$0x2]  }
0x1b1: {  	s0 =	sadd.s32 @!p0 $0x100000, s0  }
0x1b2: {  	[sflag:s0] =	ssyncadd.tile.s32 @!p0 $0x1;
	_ =	shalt  }
.Lfunc_end2:
_tile_overlayer_lowered:
.L_overlay_start_2:
0x1b3: {  	(tag) =	ssettag $0x2  }
0x1b4: {  	s0 =	rddreg [dreg:$0x0];
	s2 =	stileid.u32  }
0x1b5: {  	s1 =	rddreg [dreg:$0x1];
	p0 =	sne.s32 s2, $0x0  }
0x1b6: {  	s3 =	rddreg [dreg:$0x2];
	[bflag:$0x3] =	sbarrier.arrive $0xFFFF;
	s2 =	simm.s32 @!p0 $0x1C03  }
0x1b7: {  	[timem:s3], [sflag:s2] =	dma.local @!p0 [hbm:s0], s1  }
0x1b8: {  	s0 =	simm.s32 @!p0 $0x3  }
0x1b9: {  	_ =	swait.ge @!p0 [sflag:s0], s1  }
0x1ba: {  	s1 =	ssub.s32 @!p0 $0x0, s1;
	[sflag:s0] =	ssyncset.done @!p0 $0x0  }
0x1bb: {  	[sflag:s0] =	ssyncadd.s32 @!p0 s1  }
0x1bc: {  	[bflag:$0x3] =	sbarrier.arrive $0xFFFF  }
0x1bd: {  	_ =	shalt  }

// kernel: sparse-core-data-format-call.cloned.1.call-start
scs
called_computation_lowered:
.L_overlay_start_0:
0x0: {  	s2 =	sld [smem:$0x3FD9]  }
0x1: {  	s3 =	sld [smem:$0x3FFE];
	_ =	sdelay $0x1  }
0x2: {  	s1 =	srdreg.scid  }
0x3: {  	s0 =	sand.u32 $0x1, s1  }
0x4: {  	s18 =	sshll.u32 s0, $0xA;
	s2 =	sadd.s32 s3, s2  }
0x5: {  	s2 =	sadd.s32 s2, s18  }
0x6: {  	[smem:$0x3FC6] =	sst s2  }
0x7: {  	_ = 	snop  }
0x8: {  	s2 =	sld [smem:$0x3FD0];
	(tm) =	ssettm $0x1  }
0x9: {  	s19 =	sld [smem:$0x3FFB];
	_ =	sdelay $0x3  }
0xa: {  	_ =	strace s19  }
0xb: {  	s3 =	sld [smem:$0x3FFC];
	_ =	sdelay $0x3  }
0xc: {  	_ =	strace s3  }
0xd: {  	s3 =	sld [smem:$0x3FFD];
	_ =	sdelay $0x3  }
0xe: {  	_ =	strace s3  }
0xf: {  	_ =	strace $0x8FFFFFFF  }
0x10: {  	s20 =	sld [smem:$0x3FDB];
	_ =	sdelay $0x1  }
0x11: {  	s4 =	simm.s32 $_scs_section_size  }
0x12: {  	s5 =	simm.s32 $_size__tile_overlayer_lowered;
	s6 =	simm.s32 $_tile_overlayer_lowered  }
0x13: {  	s23 =	simm.s32 $0x1BFF;
	s22 =	sshll.u32 s6, $0x1;
	s3 =	sadd.s32 s4, s20  }
0x14: {  	s7 =	simm.s32 $0x0;
	s21 =	sshll.u32 s5, $0x1;
	s5 =	sadd.s32 s22, s3  }
0x15: {  	[timem:s7], [sflag:s23] =	dma.local [hbm:s5], s21  }
0x16: {  	_ =	swait.ge [sflag:s23], s21  }
0x17: {  	s4 =	ssub.s32 $0x0, s21;
	[sflag:s23] =	ssyncset.done $0x0  }
0x18: {  	[sflag:s23] =	ssyncadd.s32 s4;
	_ =	sdelay $0x1  }
0x19: {  	s24 =	simm.s32 $0x1B8B  }
0x1a: {  	_ =	swait.ge [sflag:s24], $0x1  }
0x1b: {  	[sflag:s24] =	ssyncset.done $0x0  }
0x1c: {  	s26 =	simm.s32 $0x1B8E;
	s25 =	sld [smem:$0x3FFE];
	[sflag:s24] =	ssyncadd.s32 $0xFFFFFFFF  }
0x1d: {  	s27 =	simm.s32 $execute0_lowered;
	[smem:$0x3FD2] =	sst s26  }
0x1e: {  	s5 =	sshll.u32 s27, $0x1;
	_ =	strace $0x80000049;
	[dreg:$0x1] =	wrdreg $0xFFFFFFFF  }
0x1f: {  	s28 =	simm.s32 $_size_execute0_lowered;
	s3 =	sadd.s32 s3, s5;
	[dreg:$0x0] =	wrdreg $0x0  }
0x20: {  	s5 =	sshll.u32 s28, $0x1;
	[dreg:$0x2] =	wrdreg s3  }
0x21: {  	[dreg:$0x3] =	wrdreg s5  }
0x22: {  	[dreg:$0x4] =	wrdreg $0xC0  }
0x23: {  	_ =	task [dreg:s7], $0x5FFFF  }
0x24: {  	[dreg:$0x1] =	wrdreg $0xFFFFFFFF  }
0x25: {  	[dreg:$0x0] =	wrdreg $0x60  }
0x26: {  	[dreg:$0x2] =	wrdreg s25  }
0x27: {  	[dreg:$0x3] =	wrdreg s2  }
0x28: {  	[dreg:$0x4] =	wrdreg $0x9  }
0x29: {  	_ =	task.clear_ibuf [dreg:s7], $0x5FFFF;
	_ =	strace $0x90000049  }
0x2a: {  	s29 =	simm.s32 $0x9;
	_ =	strace $0x8000004B  }
0x2b: {  	_ =	swait.ge [sflag:s29], $0x1  }
0x2c: {  	[sflag:s29] =	ssyncadd.s32 $0xFFFFFFFF  }
0x2d: {  	_ =	strace $0x9000004B  }
0x2e: {  	_ =	sfence  }
0x2f: {  	s30 =	sld [smem:$0x0];
	_ =	sdelay $0x2  }
0x30: {  	s31 =	sshll.u32 s1, $0xD;
	s1 =	sshrl.u32 s1, $0x2  }
0x31: {  	s3 =	sand.u32 $0x4000, s31;
	s1 =	sadd.s32 s1, s30  }
0x32: {  	s0 =	sor.u32 s3, s0;
	s1 =	sshll.u32 s1, $0x11  }
0x33: {  	s0 =	sor.u32 s1, s0  }
0x34: {  	s0 =	sadd.s32 $0x8F2B, s0  }
0x35: {  	[sflag:s0] =	ssyncadd.remote.s32 $0x1  }
0x36: {  	_ =	sfence.sel $0xFFFF  }
0x37: {  	[dreg:$0x0] =	wrdreg $0xFFFFFFFF;
	(pc) =	sbr.abs _section_cstart, $3  }
0x38: {  	[dreg:$0x1] =	wrdreg $0xFFFFFFFF  }
0x39: {  	_ =	task.clear_ibuf [dreg:s7], $0x2FFFF;
	_ =	strace $0x9FFFFFFF  }
0x3a: {  	(tm) =	ssettm $0x7FFFFFFF  }
0x3b: {  	_ =	shalt  }
tec
execute0_lowered:
.L_overlay_start_1:
0x0: {  	(tag) =	ssettag $0x1  }
0x1: {  	s0 =	srdreg.scid  }
0x2: {  	s1 =	sshll.u32 s0, $0x4  }
0x3: {  	s0 =	stileid.u32;
	s1 =	sand.u32 $0x10, s1  }
0x4: {  	s1 =	sor.u32 s0, s1  }
0x5: {  	s6 =	rddreg [dreg:$0x0];
	s4 =	simm.s32 $0x1;
	s2 =	sshll.u32 s1, $0x7  }
0x6: {  	s7 =	simm.s32 $0x2;
	s12 =	simm.s32 $0x0;
	s1 =	ssub.s32 $0x1000, s2  }
0x7: {  	s8 =	simm.s32 $0x8000;
	s13 =	simm.s32 $0x0;
	s3 =	sand.u32 $0xF80, s1  }
0x8: {  	s9 =	simm.s32 $0x0;
	s5 =	sshrl.u32 s1, $0xC;
	p0 =	sne.s32 s3, $0x0  }
.Ltmp0:
0x9: {  	s1 =	rddreg [dreg:$0x2];
	s4 =	simm.s32 @!p0 $0x0;
	(pc) =	sbr.rel .LBB1_1-.Ltmp0, $4  }
0xa: {  	s11 =	simm.s32 $0x0;
	s3 =	rddreg [dreg:$0x1];
	s5 =	sadd.s32 s4, s5  }
0xb: {  	_ =	strace $0x8000004A;
	s4 =	simm.s32 $0x1;
	s5 =	smul.u32 $0xC8, s5  }
0xc: {  	s6 =	sadd.s32 $0xA00, s6;
	s10 =	smov.u32 s2;
	[sflag:s4] =	ssyncpa.u1 $0x0  }
0xd: {  	p0 =	por $0x0, $0x0;
	[sflag:s7] =	ssyncpa.u1 $0x0;
	s7 =	sor.u32 $0x1, s5  }
.LBB1_4:
0xe: {  	s16 =	sshll.u32 s13, $0x3;
	s17 =	sand.u32 $0x78, s13  }
0xf: {  	s30 =	sand.u32 $0x7E00, s13;
	s12 =	sshll.u32 s12, $0xF;
	s16 =	sand.u32 $0xC00, s16  }
0x10: {  	[tilespmem:s15+$0x810 ss:$0x81] =	vst.msk $0xffff, v2;
	s31 =	sand.u32 $0x7, s13;
	s16 =	sor.u32 s17, s16;
	s17 =	sadd.s32 s3, s30  }
0x11: {  	[tilespmem:s15+$0x1020 ss:$0x81] =	vst.msk $0xffff, v0;
	s13 =	sshll.u32 s31, $0x12;
	s12 =	sadd.s32 s12, s17;
	s16 =	sshrl.u32 s16, $0x3  }
0x12: {  	[tilespmem:s15+$0x0 ss:$0x81] =	vst.msk $0xffff, v1;
	s13 =	sor.u32 $0x400, s13;
	s12 =	sadd.s32 s16, s12  }
0x13: {  	[hbm4b:s12+s13] =	stream.strided.scatter [tilespmem:s14], [sflag:$0x2], $0x2000, s8, s13, $0x20;
	[tilespmem:$0x8080] =	vst v63  }
.LBB1_5:
0x14: {  	s14 =	sadd.s32 $0x1, s9  }
0x15: {  	s12 =	sadd.s32 $0x1000, s10;
	s16 =	smov.u32 s10;
	p2 =	sgt.s32 s14, $0xC7  }
0x16: {  	s16 =	smov.u32 @p2 s12  }
0x17: {  	s14 =	simm.s32 @p2 $0x0;
	p2 =	sgt.s32 s16, $0xFFF  }
0x18: {  	s16 =	smov.u32 @p2 s2;
	p2 =	sne.s32 s11, s7  }
.Ltmp1:
0x19: {  	p1 =	slt.u32 s11, $0x2;
	(pc) =	sbr.rel @!p2 .LBB1_6-.Ltmp1, $4  }
0x1a: {  	s15 =	simm.s32 @!p1 $0x2  }
0x1b: {  	s13 =	smov.u32 s10;
	p0 =	por !p0, !p0;
	_ =	swait.ge @!p1 [sflag:s15], $0x2000  }
0x1c: {  	s12 =	smov.u32 s9;
	[sflag:s15] =	ssyncset.done @!p1 $0x0;
	s9 =	smov.u32 s14  }
0x1d: {  	s11 =	sadd.s32 $0x1, s11;
	[sflag:s15] =	ssyncadd.s32 @!p1 $0xFFFFE000;
	s10 =	smov.u32 s16  }
.LBB1_1:
0x1e: {  	p1 =	sge.u32 s11, s5  }
0x1f: {  	s14 =	sand.u32 @!p1 $0x1FFFFFF, s9  }
0x20: {  	s15 =	smulhi.u32 @!p1 $0x147AE15, s14;
	_ =	sdelay $0x1  }
0x21: {  	s15 =	smul.u32 @!p1 $0xC8, s15  }
0x22: {  	s16 =	sxor.u32 @!p1 $0xFFFFFFFF, s11;
	s17 =	smul.u32 @!p1 $0xC80, s10  }
0x23: {  	s31 =	sadd.s32 $0xFFFFFFFF, s11;
	s16 =	sshll.u32 @!p1 s16, $0xD;
	s14 =	ssub.s32 @!p1 s14, s15  }
0x24: {  	s15 =	sand.u32 @!p1 $0x2000, s16;
	s16 =	sadd.s32 @!p1 s6, s17;
	s14 =	sshll.u32 @!p1 s14, $0x4  }
0x25: {  	s17 =	simm.s32 @!p1 $0x6400;
	s14 =	sadd.s32 @!p1 s14, s16;
	s16 =	simm.s32 @!p1 $0x40  }
0x26: {  	[tilespmem:s15], [sflag:$0x1] =	stream.strided.gather @!p1 [hbm4b:s14+s16], $0x2000, s17, s16, $0x38;
	[tilespmem:$0x8080] =	vst v63  }
0x27: {  	p1 =	sge.u32 s31, s5  }
.Ltmp2:
0x28: {  	_ = 	snop;
	(pc) =	sbr.rel @p1 .LBB1_5-.Ltmp2, $1  }
0x29: {  	_ =	sdelay $0x3  }
0x2a: {  	s14 =	simm.s32 $0x1  }
0x2b: {  	_ =	swait.ge [sflag:s4], $0x2000;
	s14 =	simm.s32 @!p0 $0x0  }
0x2c: {  	[sflag:s4] =	ssyncset.done $0x0;
	s15 =	sshll.u32 s14, $0xD  }
0x2d: {  	[sflag:s4] =	ssyncadd.s32 $0xFFFFE000;
	s18 =	sor.u32 $0x20, s15  }
0x2e: {  	s14 =	smul.u32 $0x8100, s14;
	v3 =	vld [tilespmem:s18+$0x10]  }
0x2f: {  	s30 =	sand.u32 $0x1, s11;
	v2 =	vld [tilespmem:s18+$0xFFFFFFF0]  }
0x30: {  	s15 =	smul.u32 $0x8100, s30;
	s14 =	sshrl.u32 s14, $0x2;
	v0 =	vld [tilespmem:s18+$0x0]  }
0x31: {  	v1 =	vld [tilespmem:s18+$0xFFFFFFE0];
	s16 =	sor.u32 $0x4000, s14  }
0x32: {  	s31 =	sshrl.u32 s15, $0x2;
	s15 =	sadd.s32 $0x0, s16  }
0x33: {  	s17 =	simm.s32 $0x4;
	s18 =	sadd.s32 $0x40, s18;
	s14 =	sor.u32 $0x4000, s31;
	[tilespmem:s15+$0x1830 ss:$0x81] =	vst.msk $0xffff, v3  }
.LBB1_3:
0x34: {  	v3 =	vld [tilespmem:s18+$0x10];
	p1 =	sne.s32 s17, $0x1FC;
	[tilespmem:s15+$0x810 ss:$0x81] =	vst.msk $0xffff, v2;
	s19 =	smov.u32 s17;
	s17 =	sadd.s32 $0x4, s17  }
.Ltmp3:
0x35: {  	v2 =	vld [tilespmem:s18+$0xFFFFFFF0];
	[tilespmem:s15+$0x1020 ss:$0x81] =	vst.msk $0xffff, v0;
	(pc) =	sbr.rel @p1 .LBB1_3-.Ltmp3, $4  }
0x36: {  	v0 =	vld [tilespmem:s18+$0x0];
	[tilespmem:s15+$0x0 ss:$0x81] =	vst.msk $0xffff, v1  }
0x37: {  	s15 =	sshra.s32 s19, $0x2;
	v1 =	vld [tilespmem:s18+$0xFFFFFFE0]  }
0x38: {  	s15 =	sadd.s32 s15, s16  }
0x39: {  	s18 =	sadd.s32 $0x40, s18;
	[tilespmem:s15+$0x1830 ss:$0x81] =	vst.msk $0xffff, v3  }
.Ltmp4:
0x3a: {  	_ = 	snop;
	(pc) =	sbr.rel .LBB1_4-.Ltmp4, $1  }
0x3b: {  	_ =	sdelay $0x3  }
.LBB1_6:
0x3c: {  	_ =	sfence.sel $0x180000  }
0x3d: {  	s2 =	simm.s32 $0x1;
	[bflag:$0x0] =	sbarrier.arrive $0xFFFF  }
0x3e: {  	s31 =	simm.s32 $0x2;
	[sflag:s2] =	ssyncpa.u1 $0x1  }
0x3f: {  	[sflag:s31] =	ssyncpa.u1 $0x1  }
0x40: {  	p0 =	sne.s32 s0, $0x0;
	_ =	strace $0x9000004A  }
0x41: {  	s0 =	sadd.s32 @!p0 $0x100000, s1;
	[bflag:$0x2] =	sbarrier.arrive $0xFFFF  }
0x42: {  	[sflag:s0] =	ssyncadd.tile.s32 @!p0 $0x1;
	_ =	shalt  }
.Lfunc_end1:
_tile_overlayer_lowered:
.L_overlay_start_2:
0x43: {  	(tag) =	ssettag $0x2  }
0x44: {  	s0 =	rddreg [dreg:$0x0];
	s2 =	stileid.u32  }
0x45: {  	s1 =	rddreg [dreg:$0x1];
	p0 =	sne.s32 s2, $0x0  }
0x46: {  	s3 =	rddreg [dreg:$0x2];
	[bflag:$0x3] =	sbarrier.arrive $0xFFFF;
	s2 =	simm.s32 @!p0 $0x1C01  }
0x47: {  	[timem:s3], [sflag:s2] =	dma.local @!p0 [hbm:s0], s1  }
0x48: {  	s0 =	simm.s32 @!p0 $0x1  }
0x49: {  	_ =	swait.ge @!p0 [sflag:s0], s1  }
0x4a: {  	s1 =	ssub.s32 @!p0 $0x0, s1;
	[sflag:s0] =	ssyncset.done @!p0 $0x0  }
0x4b: {  	[sflag:s0] =	ssyncadd.s32 @!p0 s1  }
0x4c: {  	[bflag:$0x3] =	sbarrier.arrive $0xFFFF  }
0x4d: {  	_ =	shalt  }

</sc_bundles>
